<compile_context>
chip_gen: v7x
topology: tpu7x:2x2x1
jax: 0.10.2.dev20260603
libtpu: 0.0.44.dev20260713+nightly
codegen_flags: <defaults>
</compile_context>

<pallas_src>
import functools

import jax
import jax.numpy as jnp
from jax import lax
from jax.experimental import pallas as pl
from jax.experimental.pallas import tpu as pltpu
from jax.experimental.pallas import tpu_sc as plsc


@functools.lru_cache(maxsize=None)
def _make_gather(V, D, B, chunk, nbuf):
    info = plsc.get_sparse_core_info()
    NC, NS = info.num_cores, info.num_subcores
    NW = NC * NS
    assert B % NW == 0
    b_per_w = B // NW
    assert b_per_w % chunk == 0
    n_chunks = b_per_w // chunk
    assert n_chunks % nbuf == 0
    n_groups = n_chunks // nbuf
    mesh = plsc.VectorSubcoreMesh(core_axis_name="c", subcore_axis_name="s")

    @functools.partial(
        pl.kernel,
        mesh=mesh,
        compiler_params=pltpu.CompilerParams(use_tc_tiling_on_sc=False),
        out_type=jax.ShapeDtypeStruct((B, D), jnp.float32),
        scratch_types=[
            pltpu.VMEM((nbuf, chunk), jnp.int32),
            pltpu.VMEM((nbuf, chunk, D), jnp.float32),
        ] + [pltpu.SemaphoreType.DMA] * (3 * nbuf),
    )
    def gather_k(table_hbm, idx_hbm, out_hbm, idx_v, rows_v, *sems):
        isem = sems[0:nbuf]
        gsem = sems[nbuf:2 * nbuf]
        osem = sems[2 * nbuf:3 * nbuf]
        wid = lax.axis_index("s") * NC + lax.axis_index("c")
        base = wid * b_per_w

        def idx_dma(i, b):
            off = base + (i % n_chunks) * chunk
            return pltpu.make_async_copy(
                idx_hbm.at[pl.ds(off, chunk)], idx_v.at[b], isem[b])

        def gat_dma(b):
            return pltpu.make_async_copy(
                table_hbm.at[idx_v.at[b]], rows_v.at[b], gsem[b])

        def out_dma(i, b):
            off = base + (i % n_chunks) * chunk
            return pltpu.make_async_copy(
                rows_v.at[b], out_hbm.at[pl.ds(off, chunk)], osem[b])

        for b in range(nbuf):
            idx_dma(b, b).start()
        for b in range(nbuf):
            idx_dma(b, b).wait()
            gat_dma(b).start()

        def body(g, carry):
            for b in range(nbuf):
                i = g * nbuf + b
                gat_dma(b).wait()
                out_dma(i, b).start()
                idx_dma(i + nbuf, b).start()
            for b in range(nbuf):
                i = (g + 1) * nbuf + b
                out_dma(i, b).wait()
                idx_dma(i, b).wait()
                gat_dma(b).start()
            return carry

        lax.fori_loop(0, n_groups - 1, body, 0)

        for b in range(nbuf):
            i = (n_groups - 1) * nbuf + b
            gat_dma(b).wait()
            out_dma(i, b).start()
        for b in range(nbuf):
            i = (n_groups - 1) * nbuf + b
            out_dma(i, b).wait()

    return gather_k


def kernel(token_ids, W):
    S, T = token_ids.shape
    V, D = W.shape
    B = S * T
    idx = token_ids.reshape(B).astype(jnp.int32)
    out = _make_gather(V, D, B, 512, 4)(W, idx)
    return out.reshape(S, T, D)

# --- scband reference (transcript-rebuilt; emitter-appended) ---
"""Pipeline reference for scband-embedding-91053306675236 (READ-ONLY COPY).

The authoritative reference and input builder live on the scoring server;
editing this copy changes nothing except your own understanding.
"""

import jax, jax.numpy as jnp
import numpy as np

NUM_EMBEDDINGS = 1000000
EMBEDDING_DIM = 32


def setup_inputs(seed: int = 0) -> dict:
    key = jax.random.key(seed)
    k_idx, k_w = jax.random.split(key)
    token_ids = jax.random.randint(k_idx, (16384, 200), 0, NUM_EMBEDDINGS, dtype=jnp.int64)
    # trunc_normal_(mean=0, std=1, a=-3, b=3)
    W = jax.random.truncated_normal(k_w, -3.0, 3.0, (NUM_EMBEDDINGS, EMBEDDING_DIM), dtype=jnp.float32)
    return {"token_ids": token_ids, "W": W}


def reference(token_ids, W):
    # forward: self.W[token_ids] -> gather rows of the embedding table
    return jnp.take(W, token_ids, axis=0)

if __name__ == "__main__":
    import jax
    _d = setup_inputs()
    print(jax.jit(kernel)(*tuple(_d.values())))

</pallas_src>

<mosaic_0001>
#map = affine_map<(d0, d1) -> (0, 0)>
#map1 = affine_map<(d0, d1) -> (0)>
module attributes {stable_mosaic.version = 14 : i64} {
  func.func @gather_k(%arg0: i32, %arg1: i32, %arg2: memref<1000000x32xf32, #tpu.memory_space<hbm>>, %arg3: memref<3276800xi32, #tpu.memory_space<hbm>>, %arg4: memref<3276800x32xf32, #tpu.memory_space<hbm>>, %arg5: memref<4x512xi32, #tpu.memory_space<vmem>>, %arg6: memref<4x512x32xf32, #tpu.memory_space<vmem>>, %arg7: memref<!tpu.dma_semaphore, #tpu.memory_space<semaphore_mem>>, %arg8: memref<!tpu.dma_semaphore, #tpu.memory_space<semaphore_mem>>, %arg9: memref<!tpu.dma_semaphore, #tpu.memory_space<semaphore_mem>>, %arg10: memref<!tpu.dma_semaphore, #tpu.memory_space<semaphore_mem>>, %arg11: memref<!tpu.dma_semaphore, #tpu.memory_space<semaphore_mem>>, %arg12: memref<!tpu.dma_semaphore, #tpu.memory_space<semaphore_mem>>, %arg13: memref<!tpu.dma_semaphore, #tpu.memory_space<semaphore_mem>>, %arg14: memref<!tpu.dma_semaphore, #tpu.memory_space<semaphore_mem>>, %arg15: memref<!tpu.dma_semaphore, #tpu.memory_space<semaphore_mem>>, %arg16: memref<!tpu.dma_semaphore, #tpu.memory_space<semaphore_mem>>, %arg17: memref<!tpu.dma_semaphore, #tpu.memory_space<semaphore_mem>>, %arg18: memref<!tpu.dma_semaphore, #tpu.memory_space<semaphore_mem>>) attributes {dimension_semantics = [#tpu.dimension_semantics<core_parallel>, #tpu.dimension_semantics<subcore_parallel>], iteration_bounds = array<i64: 2, 16>, scalar_prefetch = 0 : i64, scratch_operands = 14 : i64, tpu.core_type = #tpu.core_type<sc_vector_subcore>, window_params = [{transform_indices = #map}, {transform_indices = #map1}, {transform_indices = #map}]} {
    %mul3A = arith.constant 2 : i32
    %mul3A_0 = arith.muli %arg1, %mul3A : i32
    %add3A = arith.addi %mul3A_0, %arg0 : i32
    %mul3A_1 = arith.constant 102400 : i32
    %mul3A_2 = arith.muli %add3A, %mul3A_1 : i32
    %add3A_3 = arith.constant 0 : i32
    %add3A_4 = arith.addi %mul3A_2, %add3A_3 : i32
    %dma_start3A = arith.constant 0 : i32
    %dma_start3A_5 = arith.constant 0 : i32
    %dma_start3A_6 = tpu.memref_slice %arg5[%dma_start3A, %dma_start3A_5] : memref<4x512xi32, #tpu.memory_space<vmem>> -> memref<1x512xi32, #tpu.memory_space<vmem>>
    %dma_start3A_7 = tpu.memref_squeeze %dma_start3A_6 : memref<1x512xi32, #tpu.memory_space<vmem>> -> memref<512xi32, #tpu.memory_space<vmem>>
    %dma_start3A_8 = tpu.memref_slice %arg3[%add3A_4] : memref<3276800xi32, #tpu.memory_space<hbm>> -> memref<512xi32, #tpu.memory_space<hbm>>
    %dma_start3A_9 = arith.constant 0 : i32
    %dma_start3A_10 = tpu.memref_slice %arg5[%dma_start3A, %dma_start3A_9] : memref<4x512xi32, #tpu.memory_space<vmem>> -> memref<1x512xi32, #tpu.memory_space<vmem>>
    %dma_start3A_11 = tpu.memref_squeeze %dma_start3A_10 : memref<1x512xi32, #tpu.memory_space<vmem>> -> memref<512xi32, #tpu.memory_space<vmem>>
    %dma_start3A_12 = tpu.memref_slice %arg3[%add3A_4] : memref<3276800xi32, #tpu.memory_space<hbm>> -> memref<512xi32, #tpu.memory_space<hbm>>
    tpu.enqueue_dma source(%dma_start3A_12 : memref<512xi32, #tpu.memory_space<hbm>>) target(%dma_start3A_11 : memref<512xi32, #tpu.memory_space<vmem>>) target_semaphore(%arg7 : memref<!tpu.dma_semaphore, #tpu.memory_space<semaphore_mem>>)
    %add3A_13 = arith.constant 512 : i32
    %add3A_14 = arith.addi %mul3A_2, %add3A_13 : i32
    %dma_start3A_15 = arith.constant 1 : i32
    %dma_start3A_16 = arith.constant 0 : i32
    %dma_start3A_17 = tpu.memref_slice %arg5[%dma_start3A_15, %dma_start3A_16] : memref<4x512xi32, #tpu.memory_space<vmem>> -> memref<1x512xi32, #tpu.memory_space<vmem>>
    %dma_start3A_18 = tpu.memref_squeeze %dma_start3A_17 : memref<1x512xi32, #tpu.memory_space<vmem>> -> memref<512xi32, #tpu.memory_space<vmem>>
    %dma_start3A_19 = tpu.memref_slice %arg3[%add3A_14] : memref<3276800xi32, #tpu.memory_space<hbm>> -> memref<512xi32, #tpu.memory_space<hbm>>
    %dma_start3A_20 = arith.constant 0 : i32
    %dma_start3A_21 = tpu.memref_slice %arg5[%dma_start3A_15, %dma_start3A_20] : memref<4x512xi32, #tpu.memory_space<vmem>> -> memref<1x512xi32, #tpu.memory_space<vmem>>
    %dma_start3A_22 = tpu.memref_squeeze %dma_start3A_21 : memref<1x512xi32, #tpu.memory_space<vmem>> -> memref<512xi32, #tpu.memory_space<vmem>>
    %dma_start3A_23 = tpu.memref_slice %arg3[%add3A_14] : memref<3276800xi32, #tpu.memory_space<hbm>> -> memref<512xi32, #tpu.memory_space<hbm>>
    tpu.enqueue_dma source(%dma_start3A_23 : memref<512xi32, #tpu.memory_space<hbm>>) target(%dma_start3A_22 : memref<512xi32, #tpu.memory_space<vmem>>) target_semaphore(%arg8 : memref<!tpu.dma_semaphore, #tpu.memory_space<semaphore_mem>>)
    %add3A_24 = arith.constant 1024 : i32
    %add3A_25 = arith.addi %mul3A_2, %add3A_24 : i32
    %dma_start3A_26 = arith.constant 2 : i32
    %dma_start3A_27 = arith.constant 0 : i32
    %dma_start3A_28 = tpu.memref_slice %arg5[%dma_start3A_26, %dma_start3A_27] : memref<4x512xi32, #tpu.memory_space<vmem>> -> memref<1x512xi32, #tpu.memory_space<vmem>>
    %dma_start3A_29 = tpu.memref_squeeze %dma_start3A_28 : memref<1x512xi32, #tpu.memory_space<vmem>> -> memref<512xi32, #tpu.memory_space<vmem>>
    %dma_start3A_30 = tpu.memref_slice %arg3[%add3A_25] : memref<3276800xi32, #tpu.memory_space<hbm>> -> memref<512xi32, #tpu.memory_space<hbm>>
    %dma_start3A_31 = arith.constant 0 : i32
    %dma_start3A_32 = tpu.memref_slice %arg5[%dma_start3A_26, %dma_start3A_31] : memref<4x512xi32, #tpu.memory_space<vmem>> -> memref<1x512xi32, #tpu.memory_space<vmem>>
    %dma_start3A_33 = tpu.memref_squeeze %dma_start3A_32 : memref<1x512xi32, #tpu.memory_space<vmem>> -> memref<512xi32, #tpu.memory_space<vmem>>
    %dma_start3A_34 = tpu.memref_slice %arg3[%add3A_25] : memref<3276800xi32, #tpu.memory_space<hbm>> -> memref<512xi32, #tpu.memory_space<hbm>>
    tpu.enqueue_dma source(%dma_start3A_34 : memref<512xi32, #tpu.memory_space<hbm>>) target(%dma_start3A_33 : memref<512xi32, #tpu.memory_space<vmem>>) target_semaphore(%arg9 : memref<!tpu.dma_semaphore, #tpu.memory_space<semaphore_mem>>)
    %add3A_35 = arith.constant 1536 : i32
    %add3A_36 = arith.addi %mul3A_2, %add3A_35 : i32
    %dma_start3A_37 = arith.constant 3 : i32
    %dma_start3A_38 = arith.constant 0 : i32
    %dma_start3A_39 = tpu.memref_slice %arg5[%dma_start3A_37, %dma_start3A_38] : memref<4x512xi32, #tpu.memory_space<vmem>> -> memref<1x512xi32, #tpu.memory_space<vmem>>
    %dma_start3A_40 = tpu.memref_squeeze %dma_start3A_39 : memref<1x512xi32, #tpu.memory_space<vmem>> -> memref<512xi32, #tpu.memory_space<vmem>>
    %dma_start3A_41 = tpu.memref_slice %arg3[%add3A_36] : memref<3276800xi32, #tpu.memory_space<hbm>> -> memref<512xi32, #tpu.memory_space<hbm>>
    %dma_start3A_42 = arith.constant 0 : i32
    %dma_start3A_43 = tpu.memref_slice %arg5[%dma_start3A_37, %dma_start3A_42] : memref<4x512xi32, #tpu.memory_space<vmem>> -> memref<1x512xi32, #tpu.memory_space<vmem>>
    %dma_start3A_44 = tpu.memref_squeeze %dma_start3A_43 : memref<1x512xi32, #tpu.memory_space<vmem>> -> memref<512xi32, #tpu.memory_space<vmem>>
    %dma_start3A_45 = tpu.memref_slice %arg3[%add3A_36] : memref<3276800xi32, #tpu.memory_space<hbm>> -> memref<512xi32, #tpu.memory_space<hbm>>
    tpu.enqueue_dma source(%dma_start3A_45 : memref<512xi32, #tpu.memory_space<hbm>>) target(%dma_start3A_44 : memref<512xi32, #tpu.memory_space<vmem>>) target_semaphore(%arg10 : memref<!tpu.dma_semaphore, #tpu.memory_space<semaphore_mem>>)
    %add3A_46 = arith.constant 0 : i32
    %add3A_47 = arith.addi %mul3A_2, %add3A_46 : i32
    %dma_wait3A = arith.constant 0 : i32
    %dma_wait3A_48 = arith.constant 0 : i32
    %dma_wait3A_49 = tpu.memref_slice %arg5[%dma_wait3A, %dma_wait3A_48] : memref<4x512xi32, #tpu.memory_space<vmem>> -> memref<1x512xi32, #tpu.memory_space<vmem>>
    %dma_wait3A_50 = tpu.memref_squeeze %dma_wait3A_49 : memref<1x512xi32, #tpu.memory_space<vmem>> -> memref<512xi32, #tpu.memory_space<vmem>>
    %dma_wait3A_51 = tpu.memref_slice %arg3[%add3A_47] : memref<3276800xi32, #tpu.memory_space<hbm>> -> memref<512xi32, #tpu.memory_space<hbm>>
    %dma_wait3A_52 = arith.constant 0 : i32
    %dma_wait3A_53 = tpu.memref_slice %arg5[%dma_wait3A, %dma_wait3A_52] : memref<4x512xi32, #tpu.memory_space<vmem>> -> memref<1x512xi32, #tpu.memory_space<vmem>>
    %dma_wait3A_54 = tpu.memref_squeeze %dma_wait3A_53 : memref<1x512xi32, #tpu.memory_space<vmem>> -> memref<512xi32, #tpu.memory_space<vmem>>
    %dma_wait3A_55 = tpu.memref_slice %arg3[%add3A_47] : memref<3276800xi32, #tpu.memory_space<hbm>> -> memref<512xi32, #tpu.memory_space<hbm>>
    tpu.wait_dma2 semaphore(%arg7 : memref<!tpu.dma_semaphore, #tpu.memory_space<semaphore_mem>>) src(%dma_wait3A_55 : memref<512xi32, #tpu.memory_space<hbm>>) dst(%dma_wait3A_54 : memref<512xi32, #tpu.memory_space<vmem>>)
    %dma_start3A_56 = arith.constant 0 : i32
    %dma_start3A_57 = arith.constant 0 : i32
    %dma_start3A_58 = arith.constant 0 : i32
    %dma_start3A_59 = arith.constant 0 : i32
    %dma_start3A_60 = tpu.memref_slice %arg6[%dma_start3A_57, %dma_start3A_58, %dma_start3A_59] : memref<4x512x32xf32, #tpu.memory_space<vmem>> -> memref<1x512x32xf32, #tpu.memory_space<vmem>>
    %dma_start3A_61 = tpu.memref_squeeze %dma_start3A_60 : memref<1x512x32xf32, #tpu.memory_space<vmem>> -> memref<512x32xf32, #tpu.memory_space<vmem>>
    %dma_start3A_62 = arith.constant 0 : i32
    %dma_start3A_63 = tpu.memref_slice %arg5[%dma_start3A_56, %dma_start3A_62] : memref<4x512xi32, #tpu.memory_space<vmem>> -> memref<1x512xi32, #tpu.memory_space<vmem>>
    %dma_start3A_64 = tpu.memref_squeeze %dma_start3A_63 : memref<1x512xi32, #tpu.memory_space<vmem>> -> memref<512xi32, #tpu.memory_space<vmem>>
    %dma_start3A_65 = arith.constant 0 : i32
    %dma_start3A_66 = arith.constant 0 : i32
    %dma_start3A_67 = tpu.memref_slice %arg2[%dma_start3A_65, %dma_start3A_66] : memref<1000000x32xf32, #tpu.memory_space<hbm>> -> memref<1000000x32xf32, #tpu.memory_space<hbm>>
    tpu.enqueue_indirect_dma source(%dma_start3A_67 : memref<1000000x32xf32, #tpu.memory_space<hbm>>) target(%dma_start3A_61 : memref<512x32xf32, #tpu.memory_space<vmem>>) offsets(%dma_start3A_64 : memref<512xi32, #tpu.memory_space<vmem>>) semaphore(%arg11 : memref<!tpu.dma_semaphore, #tpu.memory_space<semaphore_mem>>)
    %add3A_68 = arith.constant 512 : i32
    %add3A_69 = arith.addi %mul3A_2, %add3A_68 : i32
    %dma_wait3A_70 = arith.constant 1 : i32
    %dma_wait3A_71 = arith.constant 0 : i32
    %dma_wait3A_72 = tpu.memref_slice %arg5[%dma_wait3A_70, %dma_wait3A_71] : memref<4x512xi32, #tpu.memory_space<vmem>> -> memref<1x512xi32, #tpu.memory_space<vmem>>
    %dma_wait3A_73 = tpu.memref_squeeze %dma_wait3A_72 : memref<1x512xi32, #tpu.memory_space<vmem>> -> memref<512xi32, #tpu.memory_space<vmem>>
    %dma_wait3A_74 = tpu.memref_slice %arg3[%add3A_69] : memref<3276800xi32, #tpu.memory_space<hbm>> -> memref<512xi32, #tpu.memory_space<hbm>>
    %dma_wait3A_75 = arith.constant 0 : i32
    %dma_wait3A_76 = tpu.memref_slice %arg5[%dma_wait3A_70, %dma_wait3A_75] : memref<4x512xi32, #tpu.memory_space<vmem>> -> memref<1x512xi32, #tpu.memory_space<vmem>>
    %dma_wait3A_77 = tpu.memref_squeeze %dma_wait3A_76 : memref<1x512xi32, #tpu.memory_space<vmem>> -> memref<512xi32, #tpu.memory_space<vmem>>
    %dma_wait3A_78 = tpu.memref_slice %arg3[%add3A_69] : memref<3276800xi32, #tpu.memory_space<hbm>> -> memref<512xi32, #tpu.memory_space<hbm>>
    tpu.wait_dma2 semaphore(%arg8 : memref<!tpu.dma_semaphore, #tpu.memory_space<semaphore_mem>>) src(%dma_wait3A_78 : memref<512xi32, #tpu.memory_space<hbm>>) dst(%dma_wait3A_77 : memref<512xi32, #tpu.memory_space<vmem>>)
    %dma_start3A_79 = arith.constant 1 : i32
    %dma_start3A_80 = arith.constant 1 : i32
    %dma_start3A_81 = arith.constant 0 : i32
    %dma_start3A_82 = arith.constant 0 : i32
    %dma_start3A_83 = tpu.memref_slice %arg6[%dma_start3A_80, %dma_start3A_81, %dma_start3A_82] : memref<4x512x32xf32, #tpu.memory_space<vmem>> -> memref<1x512x32xf32, #tpu.memory_space<vmem>>
    %dma_start3A_84 = tpu.memref_squeeze %dma_start3A_83 : memref<1x512x32xf32, #tpu.memory_space<vmem>> -> memref<512x32xf32, #tpu.memory_space<vmem>>
    %dma_start3A_85 = arith.constant 0 : i32
    %dma_start3A_86 = tpu.memref_slice %arg5[%dma_start3A_79, %dma_start3A_85] : memref<4x512xi32, #tpu.memory_space<vmem>> -> memref<1x512xi32, #tpu.memory_space<vmem>>
    %dma_start3A_87 = tpu.memref_squeeze %dma_start3A_86 : memref<1x512xi32, #tpu.memory_space<vmem>> -> memref<512xi32, #tpu.memory_space<vmem>>
    %dma_start3A_88 = arith.constant 0 : i32
    %dma_start3A_89 = arith.constant 0 : i32
    %dma_start3A_90 = tpu.memref_slice %arg2[%dma_start3A_88, %dma_start3A_89] : memref<1000000x32xf32, #tpu.memory_space<hbm>> -> memref<1000000x32xf32, #tpu.memory_space<hbm>>
    tpu.enqueue_indirect_dma source(%dma_start3A_90 : memref<1000000x32xf32, #tpu.memory_space<hbm>>) target(%dma_start3A_84 : memref<512x32xf32, #tpu.memory_space<vmem>>) offsets(%dma_start3A_87 : memref<512xi32, #tpu.memory_space<vmem>>) semaphore(%arg12 : memref<!tpu.dma_semaphore, #tpu.memory_space<semaphore_mem>>)
    %add3A_91 = arith.constant 1024 : i32
    %add3A_92 = arith.addi %mul3A_2, %add3A_91 : i32
    %dma_wait3A_93 = arith.constant 2 : i32
    %dma_wait3A_94 = arith.constant 0 : i32
    %dma_wait3A_95 = tpu.memref_slice %arg5[%dma_wait3A_93, %dma_wait3A_94] : memref<4x512xi32, #tpu.memory_space<vmem>> -> memref<1x512xi32, #tpu.memory_space<vmem>>
    %dma_wait3A_96 = tpu.memref_squeeze %dma_wait3A_95 : memref<1x512xi32, #tpu.memory_space<vmem>> -> memref<512xi32, #tpu.memory_space<vmem>>
    %dma_wait3A_97 = tpu.memref_slice %arg3[%add3A_92] : memref<3276800xi32, #tpu.memory_space<hbm>> -> memref<512xi32, #tpu.memory_space<hbm>>
    %dma_wait3A_98 = arith.constant 0 : i32
    %dma_wait3A_99 = tpu.memref_slice %arg5[%dma_wait3A_93, %dma_wait3A_98] : memref<4x512xi32, #tpu.memory_space<vmem>> -> memref<1x512xi32, #tpu.memory_space<vmem>>
    %dma_wait3A_100 = tpu.memref_squeeze %dma_wait3A_99 : memref<1x512xi32, #tpu.memory_space<vmem>> -> memref<512xi32, #tpu.memory_space<vmem>>
    %dma_wait3A_101 = tpu.memref_slice %arg3[%add3A_92] : memref<3276800xi32, #tpu.memory_space<hbm>> -> memref<512xi32, #tpu.memory_space<hbm>>
    tpu.wait_dma2 semaphore(%arg9 : memref<!tpu.dma_semaphore, #tpu.memory_space<semaphore_mem>>) src(%dma_wait3A_101 : memref<512xi32, #tpu.memory_space<hbm>>) dst(%dma_wait3A_100 : memref<512xi32, #tpu.memory_space<vmem>>)
    %dma_start3A_102 = arith.constant 2 : i32
    %dma_start3A_103 = arith.constant 2 : i32
    %dma_start3A_104 = arith.constant 0 : i32
    %dma_start3A_105 = arith.constant 0 : i32
    %dma_start3A_106 = tpu.memref_slice %arg6[%dma_start3A_103, %dma_start3A_104, %dma_start3A_105] : memref<4x512x32xf32, #tpu.memory_space<vmem>> -> memref<1x512x32xf32, #tpu.memory_space<vmem>>
    %dma_start3A_107 = tpu.memref_squeeze %dma_start3A_106 : memref<1x512x32xf32, #tpu.memory_space<vmem>> -> memref<512x32xf32, #tpu.memory_space<vmem>>
    %dma_start3A_108 = arith.constant 0 : i32
    %dma_start3A_109 = tpu.memref_slice %arg5[%dma_start3A_102, %dma_start3A_108] : memref<4x512xi32, #tpu.memory_space<vmem>> -> memref<1x512xi32, #tpu.memory_space<vmem>>
    %dma_start3A_110 = tpu.memref_squeeze %dma_start3A_109 : memref<1x512xi32, #tpu.memory_space<vmem>> -> memref<512xi32, #tpu.memory_space<vmem>>
    %dma_start3A_111 = arith.constant 0 : i32
    %dma_start3A_112 = arith.constant 0 : i32
    %dma_start3A_113 = tpu.memref_slice %arg2[%dma_start3A_111, %dma_start3A_112] : memref<1000000x32xf32, #tpu.memory_space<hbm>> -> memref<1000000x32xf32, #tpu.memory_space<hbm>>
    tpu.enqueue_indirect_dma source(%dma_start3A_113 : memref<1000000x32xf32, #tpu.memory_space<hbm>>) target(%dma_start3A_107 : memref<512x32xf32, #tpu.memory_space<vmem>>) offsets(%dma_start3A_110 : memref<512xi32, #tpu.memory_space<vmem>>) semaphore(%arg13 : memref<!tpu.dma_semaphore, #tpu.memory_space<semaphore_mem>>)
    %add3A_114 = arith.constant 1536 : i32
    %add3A_115 = arith.addi %mul3A_2, %add3A_114 : i32
    %dma_wait3A_116 = arith.constant 3 : i32
    %dma_wait3A_117 = arith.constant 0 : i32
    %dma_wait3A_118 = tpu.memref_slice %arg5[%dma_wait3A_116, %dma_wait3A_117] : memref<4x512xi32, #tpu.memory_space<vmem>> -> memref<1x512xi32, #tpu.memory_space<vmem>>
    %dma_wait3A_119 = tpu.memref_squeeze %dma_wait3A_118 : memref<1x512xi32, #tpu.memory_space<vmem>> -> memref<512xi32, #tpu.memory_space<vmem>>
    %dma_wait3A_120 = tpu.memref_slice %arg3[%add3A_115] : memref<3276800xi32, #tpu.memory_space<hbm>> -> memref<512xi32, #tpu.memory_space<hbm>>
    %dma_wait3A_121 = arith.constant 0 : i32
    %dma_wait3A_122 = tpu.memref_slice %arg5[%dma_wait3A_116, %dma_wait3A_121] : memref<4x512xi32, #tpu.memory_space<vmem>> -> memref<1x512xi32, #tpu.memory_space<vmem>>
    %dma_wait3A_123 = tpu.memref_squeeze %dma_wait3A_122 : memref<1x512xi32, #tpu.memory_space<vmem>> -> memref<512xi32, #tpu.memory_space<vmem>>
    %dma_wait3A_124 = tpu.memref_slice %arg3[%add3A_115] : memref<3276800xi32, #tpu.memory_space<hbm>> -> memref<512xi32, #tpu.memory_space<hbm>>
    tpu.wait_dma2 semaphore(%arg10 : memref<!tpu.dma_semaphore, #tpu.memory_space<semaphore_mem>>) src(%dma_wait3A_124 : memref<512xi32, #tpu.memory_space<hbm>>) dst(%dma_wait3A_123 : memref<512xi32, #tpu.memory_space<vmem>>)
    %dma_start3A_125 = arith.constant 3 : i32
    %dma_start3A_126 = arith.constant 3 : i32
    %dma_start3A_127 = arith.constant 0 : i32
    %dma_start3A_128 = arith.constant 0 : i32
    %dma_start3A_129 = tpu.memref_slice %arg6[%dma_start3A_126, %dma_start3A_127, %dma_start3A_128] : memref<4x512x32xf32, #tpu.memory_space<vmem>> -> memref<1x512x32xf32, #tpu.memory_space<vmem>>
    %dma_start3A_130 = tpu.memref_squeeze %dma_start3A_129 : memref<1x512x32xf32, #tpu.memory_space<vmem>> -> memref<512x32xf32, #tpu.memory_space<vmem>>
    %dma_start3A_131 = arith.constant 0 : i32
    %dma_start3A_132 = tpu.memref_slice %arg5[%dma_start3A_125, %dma_start3A_131] : memref<4x512xi32, #tpu.memory_space<vmem>> -> memref<1x512xi32, #tpu.memory_space<vmem>>
    %dma_start3A_133 = tpu.memref_squeeze %dma_start3A_132 : memref<1x512xi32, #tpu.memory_space<vmem>> -> memref<512xi32, #tpu.memory_space<vmem>>
    %dma_start3A_134 = arith.constant 0 : i32
    %dma_start3A_135 = arith.constant 0 : i32
    %dma_start3A_136 = tpu.memref_slice %arg2[%dma_start3A_134, %dma_start3A_135] : memref<1000000x32xf32, #tpu.memory_space<hbm>> -> memref<1000000x32xf32, #tpu.memory_space<hbm>>
    tpu.enqueue_indirect_dma source(%dma_start3A_136 : memref<1000000x32xf32, #tpu.memory_space<hbm>>) target(%dma_start3A_130 : memref<512x32xf32, #tpu.memory_space<vmem>>) offsets(%dma_start3A_133 : memref<512xi32, #tpu.memory_space<vmem>>) semaphore(%arg14 : memref<!tpu.dma_semaphore, #tpu.memory_space<semaphore_mem>>)
    %scan3A = arith.constant 0 : i32
    %scan3A_137 = arith.constant 0 : i32
    %scan3A_138 = arith.constant 49 : i32
    %scan3A_139 = arith.addi %scan3A_137, %scan3A_138 : i32
    %scan3A_140 = arith.constant 1 : i32
    scf.for %scan3A_310 = %scan3A_137 to %scan3A_139 step %scan3A_140  : i32 {
      %mul3A_311 = arith.constant 4 : i32
      %mul3A_312 = arith.muli %scan3A_310, %mul3A_311 : i32
      %add3A_313 = arith.constant 0 : i32
      %add3A_314 = arith.addi %mul3A_312, %add3A_313 : i32
      %dma_wait3A_315 = arith.constant 0 : i32
      %dma_wait3A_316 = arith.constant 0 : i32
      %dma_wait3A_317 = arith.constant 0 : i32
      %dma_wait3A_318 = arith.constant 0 : i32
      %dma_wait3A_319 = tpu.memref_slice %arg6[%dma_wait3A_316, %dma_wait3A_317, %dma_wait3A_318] : memref<4x512x32xf32, #tpu.memory_space<vmem>> -> memref<1x512x32xf32, #tpu.memory_space<vmem>>
      %dma_wait3A_320 = tpu.memref_squeeze %dma_wait3A_319 : memref<1x512x32xf32, #tpu.memory_space<vmem>> -> memref<512x32xf32, #tpu.memory_space<vmem>>
      %dma_wait3A_321 = arith.constant 0 : i32
      %dma_wait3A_322 = tpu.memref_slice %arg5[%dma_wait3A_315, %dma_wait3A_321] : memref<4x512xi32, #tpu.memory_space<vmem>> -> memref<1x512xi32, #tpu.memory_space<vmem>>
      %dma_wait3A_323 = tpu.memref_squeeze %dma_wait3A_322 : memref<1x512xi32, #tpu.memory_space<vmem>> -> memref<512xi32, #tpu.memory_space<vmem>>
      %dma_wait3A_324 = arith.constant 0 : i32
      %dma_wait3A_325 = arith.constant 0 : i32
      %dma_wait3A_326 = tpu.memref_slice %arg2[%dma_wait3A_324, %dma_wait3A_325] : memref<1000000x32xf32, #tpu.memory_space<hbm>> -> memref<1000000x32xf32, #tpu.memory_space<hbm>>
      tpu.wait_indirect_dma semaphore(%arg11 : memref<!tpu.dma_semaphore, #tpu.memory_space<semaphore_mem>>) src(%dma_wait3A_326 : memref<1000000x32xf32, #tpu.memory_space<hbm>>) dst(%dma_wait3A_320 : memref<512x32xf32, #tpu.memory_space<vmem>>)
      %jit3A = arith.constant 200 : i32
      %eq3A = arith.constant 0 : i32
      %eq3A_327 = arith.cmpi eq, %jit3A, %eq3A : i32
      %jit3A_328 = arith.constant 1 : i32
      %select_n3A = arith.select %eq3A_327, %jit3A_328, %jit3A : i32
      %rem3A = arith.remsi %add3A_314, %select_n3A : i32
      %ne3A = arith.constant 0 : i32
      %ne3A_329 = arith.cmpi ne, %rem3A, %ne3A : i32
      %lt3A = arith.constant 0 : i32
      %lt3A_330 = arith.cmpi slt, %rem3A, %lt3A : i32
      %lt3A_331 = arith.constant 0 : i32
      %lt3A_332 = arith.cmpi slt, %select_n3A, %lt3A_331 : i32
      %ne3A_333 = arith.xori %lt3A_330, %lt3A_332 : i1
      %and3A = arith.andi %ne3A_333, %ne3A_329 : i1
      %add3A_334 = arith.addi %rem3A, %select_n3A : i32
      %select_n3A_335 = arith.select %and3A, %add3A_334, %rem3A : i32
      %mul3A_336 = arith.constant 512 : i32
      %mul3A_337 = arith.muli %select_n3A_335, %mul3A_336 : i32
      %add3A_338 = arith.addi %mul3A_2, %mul3A_337 : i32
      %dma_start3A_339 = arith.constant 0 : i32
      %dma_start3A_340 = arith.constant 0 : i32
      %dma_start3A_341 = arith.constant 0 : i32
      %dma_start3A_342 = tpu.memref_slice %arg6[%dma_start3A_339, %dma_start3A_340, %dma_start3A_341] : memref<4x512x32xf32, #tpu.memory_space<vmem>> -> memref<1x512x32xf32, #tpu.memory_space<vmem>>
      %dma_start3A_343 = tpu.memref_squeeze %dma_start3A_342 : memref<1x512x32xf32, #tpu.memory_space<vmem>> -> memref<512x32xf32, #tpu.memory_space<vmem>>
      %dma_start3A_344 = arith.constant 0 : i32
      %dma_start3A_345 = tpu.memref_slice %arg4[%add3A_338, %dma_start3A_344] : memref<3276800x32xf32, #tpu.memory_space<hbm>> -> memref<512x32xf32, #tpu.memory_space<hbm>>
      %dma_start3A_346 = arith.constant 0 : i32
      %dma_start3A_347 = tpu.memref_slice %arg4[%add3A_338, %dma_start3A_346] : memref<3276800x32xf32, #tpu.memory_space<hbm>> -> memref<512x32xf32, #tpu.memory_space<hbm>>
      %dma_start3A_348 = arith.constant 0 : i32
      %dma_start3A_349 = arith.constant 0 : i32
      %dma_start3A_350 = tpu.memref_slice %arg6[%dma_start3A_339, %dma_start3A_348, %dma_start3A_349] : memref<4x512x32xf32, #tpu.memory_space<vmem>> -> memref<1x512x32xf32, #tpu.memory_space<vmem>>
      %dma_start3A_351 = tpu.memref_squeeze %dma_start3A_350 : memref<1x512x32xf32, #tpu.memory_space<vmem>> -> memref<512x32xf32, #tpu.memory_space<vmem>>
      tpu.enqueue_dma source(%dma_start3A_351 : memref<512x32xf32, #tpu.memory_space<vmem>>) target(%dma_start3A_347 : memref<512x32xf32, #tpu.memory_space<hbm>>) target_semaphore(%arg15 : memref<!tpu.dma_semaphore, #tpu.memory_space<semaphore_mem>>)
      %add3A_352 = arith.constant 4 : i32
      %add3A_353 = arith.addi %add3A_314, %add3A_352 : i32
      %jit3A_354 = arith.constant 200 : i32
      %eq3A_355 = arith.constant 0 : i32
      %eq3A_356 = arith.cmpi eq, %jit3A_354, %eq3A_355 : i32
      %jit3A_357 = arith.constant 1 : i32
      %select_n3A_358 = arith.select %eq3A_356, %jit3A_357, %jit3A_354 : i32
      %rem3A_359 = arith.remsi %add3A_353, %select_n3A_358 : i32
      %ne3A_360 = arith.constant 0 : i32
      %ne3A_361 = arith.cmpi ne, %rem3A_359, %ne3A_360 : i32
      %lt3A_362 = arith.constant 0 : i32
      %lt3A_363 = arith.cmpi slt, %rem3A_359, %lt3A_362 : i32
      %lt3A_364 = arith.constant 0 : i32
      %lt3A_365 = arith.cmpi slt, %select_n3A_358, %lt3A_364 : i32
      %ne3A_366 = arith.xori %lt3A_363, %lt3A_365 : i1
      %and3A_367 = arith.andi %ne3A_366, %ne3A_361 : i1
      %add3A_368 = arith.addi %rem3A_359, %select_n3A_358 : i32
      %select_n3A_369 = arith.select %and3A_367, %add3A_368, %rem3A_359 : i32
      %mul3A_370 = arith.constant 512 : i32
      %mul3A_371 = arith.muli %select_n3A_369, %mul3A_370 : i32
      %add3A_372 = arith.addi %mul3A_2, %mul3A_371 : i32
      %dma_start3A_373 = arith.constant 0 : i32
      %dma_start3A_374 = arith.constant 0 : i32
      %dma_start3A_375 = tpu.memref_slice %arg5[%dma_start3A_373, %dma_start3A_374] : memref<4x512xi32, #tpu.memory_space<vmem>> -> memref<1x512xi32, #tpu.memory_space<vmem>>
      %dma_start3A_376 = tpu.memref_squeeze %dma_start3A_375 : memref<1x512xi32, #tpu.memory_space<vmem>> -> memref<512xi32, #tpu.memory_space<vmem>>
      %dma_start3A_377 = tpu.memref_slice %arg3[%add3A_372] : memref<3276800xi32, #tpu.memory_space<hbm>> -> memref<512xi32, #tpu.memory_space<hbm>>
      %dma_start3A_378 = arith.constant 0 : i32
      %dma_start3A_379 = tpu.memref_slice %arg5[%dma_start3A_373, %dma_start3A_378] : memref<4x512xi32, #tpu.memory_space<vmem>> -> memref<1x512xi32, #tpu.memory_space<vmem>>
      %dma_start3A_380 = tpu.memref_squeeze %dma_start3A_379 : memref<1x512xi32, #tpu.memory_space<vmem>> -> memref<512xi32, #tpu.memory_space<vmem>>
      %dma_start3A_381 = tpu.memref_slice %arg3[%add3A_372] : memref<3276800xi32, #tpu.memory_space<hbm>> -> memref<512xi32, #tpu.memory_space<hbm>>
      tpu.enqueue_dma source(%dma_start3A_381 : memref<512xi32, #tpu.memory_space<hbm>>) target(%dma_start3A_380 : memref<512xi32, #tpu.memory_space<vmem>>) target_semaphore(%arg7 : memref<!tpu.dma_semaphore, #tpu.memory_space<semaphore_mem>>)
      %mul3A_382 = arith.constant 4 : i32
      %mul3A_383 = arith.muli %scan3A_310, %mul3A_382 : i32
      %add3A_384 = arith.constant 1 : i32
      %add3A_385 = arith.addi %mul3A_383, %add3A_384 : i32
      %dma_wait3A_386 = arith.constant 1 : i32
      %dma_wait3A_387 = arith.constant 1 : i32
      %dma_wait3A_388 = arith.constant 0 : i32
      %dma_wait3A_389 = arith.constant 0 : i32
      %dma_wait3A_390 = tpu.memref_slice %arg6[%dma_wait3A_387, %dma_wait3A_388, %dma_wait3A_389] : memref<4x512x32xf32, #tpu.memory_space<vmem>> -> memref<1x512x32xf32, #tpu.memory_space<vmem>>
      %dma_wait3A_391 = tpu.memref_squeeze %dma_wait3A_390 : memref<1x512x32xf32, #tpu.memory_space<vmem>> -> memref<512x32xf32, #tpu.memory_space<vmem>>
      %dma_wait3A_392 = arith.constant 0 : i32
      %dma_wait3A_393 = tpu.memref_slice %arg5[%dma_wait3A_386, %dma_wait3A_392] : memref<4x512xi32, #tpu.memory_space<vmem>> -> memref<1x512xi32, #tpu.memory_space<vmem>>
      %dma_wait3A_394 = tpu.memref_squeeze %dma_wait3A_393 : memref<1x512xi32, #tpu.memory_space<vmem>> -> memref<512xi32, #tpu.memory_space<vmem>>
      %dma_wait3A_395 = arith.constant 0 : i32
      %dma_wait3A_396 = arith.constant 0 : i32
      %dma_wait3A_397 = tpu.memref_slice %arg2[%dma_wait3A_395, %dma_wait3A_396] : memref<1000000x32xf32, #tpu.memory_space<hbm>> -> memref<1000000x32xf32, #tpu.memory_space<hbm>>
      tpu.wait_indirect_dma semaphore(%arg12 : memref<!tpu.dma_semaphore, #tpu.memory_space<semaphore_mem>>) src(%dma_wait3A_397 : memref<1000000x32xf32, #tpu.memory_space<hbm>>) dst(%dma_wait3A_391 : memref<512x32xf32, #tpu.memory_space<vmem>>)
      %jit3A_398 = arith.constant 200 : i32
      %eq3A_399 = arith.constant 0 : i32
      %eq3A_400 = arith.cmpi eq, %jit3A_398, %eq3A_399 : i32
      %jit3A_401 = arith.constant 1 : i32
      %select_n3A_402 = arith.select %eq3A_400, %jit3A_401, %jit3A_398 : i32
      %rem3A_403 = arith.remsi %add3A_385, %select_n3A_402 : i32
      %ne3A_404 = arith.constant 0 : i32
      %ne3A_405 = arith.cmpi ne, %rem3A_403, %ne3A_404 : i32
      %lt3A_406 = arith.constant 0 : i32
      %lt3A_407 = arith.cmpi slt, %rem3A_403, %lt3A_406 : i32
      %lt3A_408 = arith.constant 0 : i32
      %lt3A_409 = arith.cmpi slt, %select_n3A_402, %lt3A_408 : i32
      %ne3A_410 = arith.xori %lt3A_407, %lt3A_409 : i1
      %and3A_411 = arith.andi %ne3A_410, %ne3A_405 : i1
      %add3A_412 = arith.addi %rem3A_403, %select_n3A_402 : i32
      %select_n3A_413 = arith.select %and3A_411, %add3A_412, %rem3A_403 : i32
      %mul3A_414 = arith.constant 512 : i32
      %mul3A_415 = arith.muli %select_n3A_413, %mul3A_414 : i32
      %add3A_416 = arith.addi %mul3A_2, %mul3A_415 : i32
      %dma_start3A_417 = arith.constant 1 : i32
      %dma_start3A_418 = arith.constant 0 : i32
      %dma_start3A_419 = arith.constant 0 : i32
      %dma_start3A_420 = tpu.memref_slice %arg6[%dma_start3A_417, %dma_start3A_418, %dma_start3A_419] : memref<4x512x32xf32, #tpu.memory_space<vmem>> -> memref<1x512x32xf32, #tpu.memory_space<vmem>>
      %dma_start3A_421 = tpu.memref_squeeze %dma_start3A_420 : memref<1x512x32xf32, #tpu.memory_space<vmem>> -> memref<512x32xf32, #tpu.memory_space<vmem>>
      %dma_start3A_422 = arith.constant 0 : i32
      %dma_start3A_423 = tpu.memref_slice %arg4[%add3A_416, %dma_start3A_422] : memref<3276800x32xf32, #tpu.memory_space<hbm>> -> memref<512x32xf32, #tpu.memory_space<hbm>>
      %dma_start3A_424 = arith.constant 0 : i32
      %dma_start3A_425 = tpu.memref_slice %arg4[%add3A_416, %dma_start3A_424] : memref<3276800x32xf32, #tpu.memory_space<hbm>> -> memref<512x32xf32, #tpu.memory_space<hbm>>
      %dma_start3A_426 = arith.constant 0 : i32
      %dma_start3A_427 = arith.constant 0 : i32
      %dma_start3A_428 = tpu.memref_slice %arg6[%dma_start3A_417, %dma_start3A_426, %dma_start3A_427] : memref<4x512x32xf32, #tpu.memory_space<vmem>> -> memref<1x512x32xf32, #tpu.memory_space<vmem>>
      %dma_start3A_429 = tpu.memref_squeeze %dma_start3A_428 : memref<1x512x32xf32, #tpu.memory_space<vmem>> -> memref<512x32xf32, #tpu.memory_space<vmem>>
      tpu.enqueue_dma source(%dma_start3A_429 : memref<512x32xf32, #tpu.memory_space<vmem>>) target(%dma_start3A_425 : memref<512x32xf32, #tpu.memory_space<hbm>>) target_semaphore(%arg16 : memref<!tpu.dma_semaphore, #tpu.memory_space<semaphore_mem>>)
      %add3A_430 = arith.constant 4 : i32
      %add3A_431 = arith.addi %add3A_385, %add3A_430 : i32
      %jit3A_432 = arith.constant 200 : i32
      %eq3A_433 = arith.constant 0 : i32
      %eq3A_434 = arith.cmpi eq, %jit3A_432, %eq3A_433 : i32
      %jit3A_435 = arith.constant 1 : i32
      %select_n3A_436 = arith.select %eq3A_434, %jit3A_435, %jit3A_432 : i32
      %rem3A_437 = arith.remsi %add3A_431, %select_n3A_436 : i32
      %ne3A_438 = arith.constant 0 : i32
      %ne3A_439 = arith.cmpi ne, %rem3A_437, %ne3A_438 : i32
      %lt3A_440 = arith.constant 0 : i32
      %lt3A_441 = arith.cmpi slt, %rem3A_437, %lt3A_440 : i32
      %lt3A_442 = arith.constant 0 : i32
      %lt3A_443 = arith.cmpi slt, %select_n3A_436, %lt3A_442 : i32
      %ne3A_444 = arith.xori %lt3A_441, %lt3A_443 : i1
      %and3A_445 = arith.andi %ne3A_444, %ne3A_439 : i1
      %add3A_446 = arith.addi %rem3A_437, %select_n3A_436 : i32
      %select_n3A_447 = arith.select %and3A_445, %add3A_446, %rem3A_437 : i32
      %mul3A_448 = arith.constant 512 : i32
      %mul3A_449 = arith.muli %select_n3A_447, %mul3A_448 : i32
      %add3A_450 = arith.addi %mul3A_2, %mul3A_449 : i32
      %dma_start3A_451 = arith.constant 1 : i32
      %dma_start3A_452 = arith.constant 0 : i32
      %dma_start3A_453 = tpu.memref_slice %arg5[%dma_start3A_451, %dma_start3A_452] : memref<4x512xi32, #tpu.memory_space<vmem>> -> memref<1x512xi32, #tpu.memory_space<vmem>>
      %dma_start3A_454 = tpu.memref_squeeze %dma_start3A_453 : memref<1x512xi32, #tpu.memory_space<vmem>> -> memref<512xi32, #tpu.memory_space<vmem>>
      %dma_start3A_455 = tpu.memref_slice %arg3[%add3A_450] : memref<3276800xi32, #tpu.memory_space<hbm>> -> memref<512xi32, #tpu.memory_space<hbm>>
      %dma_start3A_456 = arith.constant 0 : i32
      %dma_start3A_457 = tpu.memref_slice %arg5[%dma_start3A_451, %dma_start3A_456] : memref<4x512xi32, #tpu.memory_space<vmem>> -> memref<1x512xi32, #tpu.memory_space<vmem>>
      %dma_start3A_458 = tpu.memref_squeeze %dma_start3A_457 : memref<1x512xi32, #tpu.memory_space<vmem>> -> memref<512xi32, #tpu.memory_space<vmem>>
      %dma_start3A_459 = tpu.memref_slice %arg3[%add3A_450] : memref<3276800xi32, #tpu.memory_space<hbm>> -> memref<512xi32, #tpu.memory_space<hbm>>
      tpu.enqueue_dma source(%dma_start3A_459 : memref<512xi32, #tpu.memory_space<hbm>>) target(%dma_start3A_458 : memref<512xi32, #tpu.memory_space<vmem>>) target_semaphore(%arg8 : memref<!tpu.dma_semaphore, #tpu.memory_space<semaphore_mem>>)
      %mul3A_460 = arith.constant 4 : i32
      %mul3A_461 = arith.muli %scan3A_310, %mul3A_460 : i32
      %add3A_462 = arith.constant 2 : i32
      %add3A_463 = arith.addi %mul3A_461, %add3A_462 : i32
      %dma_wait3A_464 = arith.constant 2 : i32
      %dma_wait3A_465 = arith.constant 2 : i32
      %dma_wait3A_466 = arith.constant 0 : i32
      %dma_wait3A_467 = arith.constant 0 : i32
      %dma_wait3A_468 = tpu.memref_slice %arg6[%dma_wait3A_465, %dma_wait3A_466, %dma_wait3A_467] : memref<4x512x32xf32, #tpu.memory_space<vmem>> -> memref<1x512x32xf32, #tpu.memory_space<vmem>>
      %dma_wait3A_469 = tpu.memref_squeeze %dma_wait3A_468 : memref<1x512x32xf32, #tpu.memory_space<vmem>> -> memref<512x32xf32, #tpu.memory_space<vmem>>
      %dma_wait3A_470 = arith.constant 0 : i32
      %dma_wait3A_471 = tpu.memref_slice %arg5[%dma_wait3A_464, %dma_wait3A_470] : memref<4x512xi32, #tpu.memory_space<vmem>> -> memref<1x512xi32, #tpu.memory_space<vmem>>
      %dma_wait3A_472 = tpu.memref_squeeze %dma_wait3A_471 : memref<1x512xi32, #tpu.memory_space<vmem>> -> memref<512xi32, #tpu.memory_space<vmem>>
      %dma_wait3A_473 = arith.constant 0 : i32
      %dma_wait3A_474 = arith.constant 0 : i32
      %dma_wait3A_475 = tpu.memref_slice %arg2[%dma_wait3A_473, %dma_wait3A_474] : memref<1000000x32xf32, #tpu.memory_space<hbm>> -> memref<1000000x32xf32, #tpu.memory_space<hbm>>
      tpu.wait_indirect_dma semaphore(%arg13 : memref<!tpu.dma_semaphore, #tpu.memory_space<semaphore_mem>>) src(%dma_wait3A_475 : memref<1000000x32xf32, #tpu.memory_space<hbm>>) dst(%dma_wait3A_469 : memref<512x32xf32, #tpu.memory_space<vmem>>)
      %jit3A_476 = arith.constant 200 : i32
      %eq3A_477 = arith.constant 0 : i32
      %eq3A_478 = arith.cmpi eq, %jit3A_476, %eq3A_477 : i32
      %jit3A_479 = arith.constant 1 : i32
      %select_n3A_480 = arith.select %eq3A_478, %jit3A_479, %jit3A_476 : i32
      %rem3A_481 = arith.remsi %add3A_463, %select_n3A_480 : i32
      %ne3A_482 = arith.constant 0 : i32
      %ne3A_483 = arith.cmpi ne, %rem3A_481, %ne3A_482 : i32
      %lt3A_484 = arith.constant 0 : i32
      %lt3A_485 = arith.cmpi slt, %rem3A_481, %lt3A_484 : i32
      %lt3A_486 = arith.constant 0 : i32
      %lt3A_487 = arith.cmpi slt, %select_n3A_480, %lt3A_486 : i32
      %ne3A_488 = arith.xori %lt3A_485, %lt3A_487 : i1
      %and3A_489 = arith.andi %ne3A_488, %ne3A_483 : i1
      %add3A_490 = arith.addi %rem3A_481, %select_n3A_480 : i32
      %select_n3A_491 = arith.select %and3A_489, %add3A_490, %rem3A_481 : i32
      %mul3A_492 = arith.constant 512 : i32
      %mul3A_493 = arith.muli %select_n3A_491, %mul3A_492 : i32
      %add3A_494 = arith.addi %mul3A_2, %mul3A_493 : i32
      %dma_start3A_495 = arith.constant 2 : i32
      %dma_start3A_496 = arith.constant 0 : i32
      %dma_start3A_497 = arith.constant 0 : i32
      %dma_start3A_498 = tpu.memref_slice %arg6[%dma_start3A_495, %dma_start3A_496, %dma_start3A_497] : memref<4x512x32xf32, #tpu.memory_space<vmem>> -> memref<1x512x32xf32, #tpu.memory_space<vmem>>
      %dma_start3A_499 = tpu.memref_squeeze %dma_start3A_498 : memref<1x512x32xf32, #tpu.memory_space<vmem>> -> memref<512x32xf32, #tpu.memory_space<vmem>>
      %dma_start3A_500 = arith.constant 0 : i32
      %dma_start3A_501 = tpu.memref_slice %arg4[%add3A_494, %dma_start3A_500] : memref<3276800x32xf32, #tpu.memory_space<hbm>> -> memref<512x32xf32, #tpu.memory_space<hbm>>
      %dma_start3A_502 = arith.constant 0 : i32
      %dma_start3A_503 = tpu.memref_slice %arg4[%add3A_494, %dma_start3A_502] : memref<3276800x32xf32, #tpu.memory_space<hbm>> -> memref<512x32xf32, #tpu.memory_space<hbm>>
      %dma_start3A_504 = arith.constant 0 : i32
      %dma_start3A_505 = arith.constant 0 : i32
      %dma_start3A_506 = tpu.memref_slice %arg6[%dma_start3A_495, %dma_start3A_504, %dma_start3A_505] : memref<4x512x32xf32, #tpu.memory_space<vmem>> -> memref<1x512x32xf32, #tpu.memory_space<vmem>>
      %dma_start3A_507 = tpu.memref_squeeze %dma_start3A_506 : memref<1x512x32xf32, #tpu.memory_space<vmem>> -> memref<512x32xf32, #tpu.memory_space<vmem>>
      tpu.enqueue_dma source(%dma_start3A_507 : memref<512x32xf32, #tpu.memory_space<vmem>>) target(%dma_start3A_503 : memref<512x32xf32, #tpu.memory_space<hbm>>) target_semaphore(%arg17 : memref<!tpu.dma_semaphore, #tpu.memory_space<semaphore_mem>>)
      %add3A_508 = arith.constant 4 : i32
      %add3A_509 = arith.addi %add3A_463, %add3A_508 : i32
      %jit3A_510 = arith.constant 200 : i32
      %eq3A_511 = arith.constant 0 : i32
      %eq3A_512 = arith.cmpi eq, %jit3A_510, %eq3A_511 : i32
      %jit3A_513 = arith.constant 1 : i32
      %select_n3A_514 = arith.select %eq3A_512, %jit3A_513, %jit3A_510 : i32
      %rem3A_515 = arith.remsi %add3A_509, %select_n3A_514 : i32
      %ne3A_516 = arith.constant 0 : i32
      %ne3A_517 = arith.cmpi ne, %rem3A_515, %ne3A_516 : i32
      %lt3A_518 = arith.constant 0 : i32
      %lt3A_519 = arith.cmpi slt, %rem3A_515, %lt3A_518 : i32
      %lt3A_520 = arith.constant 0 : i32
      %lt3A_521 = arith.cmpi slt, %select_n3A_514, %lt3A_520 : i32
      %ne3A_522 = arith.xori %lt3A_519, %lt3A_521 : i1
      %and3A_523 = arith.andi %ne3A_522, %ne3A_517 : i1
      %add3A_524 = arith.addi %rem3A_515, %select_n3A_514 : i32
      %select_n3A_525 = arith.select %and3A_523, %add3A_524, %rem3A_515 : i32
      %mul3A_526 = arith.constant 512 : i32
      %mul3A_527 = arith.muli %select_n3A_525, %mul3A_526 : i32
      %add3A_528 = arith.addi %mul3A_2, %mul3A_527 : i32
      %dma_start3A_529 = arith.constant 2 : i32
      %dma_start3A_530 = arith.constant 0 : i32
      %dma_start3A_531 = tpu.memref_slice %arg5[%dma_start3A_529, %dma_start3A_530] : memref<4x512xi32, #tpu.memory_space<vmem>> -> memref<1x512xi32, #tpu.memory_space<vmem>>
      %dma_start3A_532 = tpu.memref_squeeze %dma_start3A_531 : memref<1x512xi32, #tpu.memory_space<vmem>> -> memref<512xi32, #tpu.memory_space<vmem>>
      %dma_start3A_533 = tpu.memref_slice %arg3[%add3A_528] : memref<3276800xi32, #tpu.memory_space<hbm>> -> memref<512xi32, #tpu.memory_space<hbm>>
      %dma_start3A_534 = arith.constant 0 : i32
      %dma_start3A_535 = tpu.memref_slice %arg5[%dma_start3A_529, %dma_start3A_534] : memref<4x512xi32, #tpu.memory_space<vmem>> -> memref<1x512xi32, #tpu.memory_space<vmem>>
      %dma_start3A_536 = tpu.memref_squeeze %dma_start3A_535 : memref<1x512xi32, #tpu.memory_space<vmem>> -> memref<512xi32, #tpu.memory_space<vmem>>
      %dma_start3A_537 = tpu.memref_slice %arg3[%add3A_528] : memref<3276800xi32, #tpu.memory_space<hbm>> -> memref<512xi32, #tpu.memory_space<hbm>>
      tpu.enqueue_dma source(%dma_start3A_537 : memref<512xi32, #tpu.memory_space<hbm>>) target(%dma_start3A_536 : memref<512xi32, #tpu.memory_space<vmem>>) target_semaphore(%arg9 : memref<!tpu.dma_semaphore, #tpu.memory_space<semaphore_mem>>)
      %mul3A_538 = arith.constant 4 : i32
      %mul3A_539 = arith.muli %scan3A_310, %mul3A_538 : i32
      %add3A_540 = arith.constant 3 : i32
      %add3A_541 = arith.addi %mul3A_539, %add3A_540 : i32
      %dma_wait3A_542 = arith.constant 3 : i32
      %dma_wait3A_543 = arith.constant 3 : i32
      %dma_wait3A_544 = arith.constant 0 : i32
      %dma_wait3A_545 = arith.constant 0 : i32
      %dma_wait3A_546 = tpu.memref_slice %arg6[%dma_wait3A_543, %dma_wait3A_544, %dma_wait3A_545] : memref<4x512x32xf32, #tpu.memory_space<vmem>> -> memref<1x512x32xf32, #tpu.memory_space<vmem>>
      %dma_wait3A_547 = tpu.memref_squeeze %dma_wait3A_546 : memref<1x512x32xf32, #tpu.memory_space<vmem>> -> memref<512x32xf32, #tpu.memory_space<vmem>>
      %dma_wait3A_548 = arith.constant 0 : i32
      %dma_wait3A_549 = tpu.memref_slice %arg5[%dma_wait3A_542, %dma_wait3A_548] : memref<4x512xi32, #tpu.memory_space<vmem>> -> memref<1x512xi32, #tpu.memory_space<vmem>>
      %dma_wait3A_550 = tpu.memref_squeeze %dma_wait3A_549 : memref<1x512xi32, #tpu.memory_space<vmem>> -> memref<512xi32, #tpu.memory_space<vmem>>
      %dma_wait3A_551 = arith.constant 0 : i32
      %dma_wait3A_552 = arith.constant 0 : i32
      %dma_wait3A_553 = tpu.memref_slice %arg2[%dma_wait3A_551, %dma_wait3A_552] : memref<1000000x32xf32, #tpu.memory_space<hbm>> -> memref<1000000x32xf32, #tpu.memory_space<hbm>>
      tpu.wait_indirect_dma semaphore(%arg14 : memref<!tpu.dma_semaphore, #tpu.memory_space<semaphore_mem>>) src(%dma_wait3A_553 : memref<1000000x32xf32, #tpu.memory_space<hbm>>) dst(%dma_wait3A_547 : memref<512x32xf32, #tpu.memory_space<vmem>>)
      %jit3A_554 = arith.constant 200 : i32
      %eq3A_555 = arith.constant 0 : i32
      %eq3A_556 = arith.cmpi eq, %jit3A_554, %eq3A_555 : i32
      %jit3A_557 = arith.constant 1 : i32
      %select_n3A_558 = arith.select %eq3A_556, %jit3A_557, %jit3A_554 : i32
      %rem3A_559 = arith.remsi %add3A_541, %select_n3A_558 : i32
      %ne3A_560 = arith.constant 0 : i32
      %ne3A_561 = arith.cmpi ne, %rem3A_559, %ne3A_560 : i32
      %lt3A_562 = arith.constant 0 : i32
      %lt3A_563 = arith.cmpi slt, %rem3A_559, %lt3A_562 : i32
      %lt3A_564 = arith.constant 0 : i32
      %lt3A_565 = arith.cmpi slt, %select_n3A_558, %lt3A_564 : i32
      %ne3A_566 = arith.xori %lt3A_563, %lt3A_565 : i1
      %and3A_567 = arith.andi %ne3A_566, %ne3A_561 : i1
      %add3A_568 = arith.addi %rem3A_559, %select_n3A_558 : i32
      %select_n3A_569 = arith.select %and3A_567, %add3A_568, %rem3A_559 : i32
      %mul3A_570 = arith.constant 512 : i32
      %mul3A_571 = arith.muli %select_n3A_569, %mul3A_570 : i32
      %add3A_572 = arith.addi %mul3A_2, %mul3A_571 : i32
      %dma_start3A_573 = arith.constant 3 : i32
      %dma_start3A_574 = arith.constant 0 : i32
      %dma_start3A_575 = arith.constant 0 : i32
      %dma_start3A_576 = tpu.memref_slice %arg6[%dma_start3A_573, %dma_start3A_574, %dma_start3A_575] : memref<4x512x32xf32, #tpu.memory_space<vmem>> -> memref<1x512x32xf32, #tpu.memory_space<vmem>>
      %dma_start3A_577 = tpu.memref_squeeze %dma_start3A_576 : memref<1x512x32xf32, #tpu.memory_space<vmem>> -> memref<512x32xf32, #tpu.memory_space<vmem>>
      %dma_start3A_578 = arith.constant 0 : i32
      %dma_start3A_579 = tpu.memref_slice %arg4[%add3A_572, %dma_start3A_578] : memref<3276800x32xf32, #tpu.memory_space<hbm>> -> memref<512x32xf32, #tpu.memory_space<hbm>>
      %dma_start3A_580 = arith.constant 0 : i32
      %dma_start3A_581 = tpu.memref_slice %arg4[%add3A_572, %dma_start3A_580] : memref<3276800x32xf32, #tpu.memory_space<hbm>> -> memref<512x32xf32, #tpu.memory_space<hbm>>
      %dma_start3A_582 = arith.constant 0 : i32
      %dma_start3A_583 = arith.constant 0 : i32
      %dma_start3A_584 = tpu.memref_slice %arg6[%dma_start3A_573, %dma_start3A_582, %dma_start3A_583] : memref<4x512x32xf32, #tpu.memory_space<vmem>> -> memref<1x512x32xf32, #tpu.memory_space<vmem>>
      %dma_start3A_585 = tpu.memref_squeeze %dma_start3A_584 : memref<1x512x32xf32, #tpu.memory_space<vmem>> -> memref<512x32xf32, #tpu.memory_space<vmem>>
      tpu.enqueue_dma source(%dma_start3A_585 : memref<512x32xf32, #tpu.memory_space<vmem>>) target(%dma_start3A_581 : memref<512x32xf32, #tpu.memory_space<hbm>>) target_semaphore(%arg18 : memref<!tpu.dma_semaphore, #tpu.memory_space<semaphore_mem>>)
      %add3A_586 = arith.constant 4 : i32
      %add3A_587 = arith.addi %add3A_541, %add3A_586 : i32
      %jit3A_588 = arith.constant 200 : i32
      %eq3A_589 = arith.constant 0 : i32
      %eq3A_590 = arith.cmpi eq, %jit3A_588, %eq3A_589 : i32
      %jit3A_591 = arith.constant 1 : i32
      %select_n3A_592 = arith.select %eq3A_590, %jit3A_591, %jit3A_588 : i32
      %rem3A_593 = arith.remsi %add3A_587, %select_n3A_592 : i32
      %ne3A_594 = arith.constant 0 : i32
      %ne3A_595 = arith.cmpi ne, %rem3A_593, %ne3A_594 : i32
      %lt3A_596 = arith.constant 0 : i32
      %lt3A_597 = arith.cmpi slt, %rem3A_593, %lt3A_596 : i32
      %lt3A_598 = arith.constant 0 : i32
      %lt3A_599 = arith.cmpi slt, %select_n3A_592, %lt3A_598 : i32
      %ne3A_600 = arith.xori %lt3A_597, %lt3A_599 : i1
      %and3A_601 = arith.andi %ne3A_600, %ne3A_595 : i1
      %add3A_602 = arith.addi %rem3A_593, %select_n3A_592 : i32
      %select_n3A_603 = arith.select %and3A_601, %add3A_602, %rem3A_593 : i32
      %mul3A_604 = arith.constant 512 : i32
      %mul3A_605 = arith.muli %select_n3A_603, %mul3A_604 : i32
      %add3A_606 = arith.addi %mul3A_2, %mul3A_605 : i32
      %dma_start3A_607 = arith.constant 3 : i32
      %dma_start3A_608 = arith.constant 0 : i32
      %dma_start3A_609 = tpu.memref_slice %arg5[%dma_start3A_607, %dma_start3A_608] : memref<4x512xi32, #tpu.memory_space<vmem>> -> memref<1x512xi32, #tpu.memory_space<vmem>>
      %dma_start3A_610 = tpu.memref_squeeze %dma_start3A_609 : memref<1x512xi32, #tpu.memory_space<vmem>> -> memref<512xi32, #tpu.memory_space<vmem>>
      %dma_start3A_611 = tpu.memref_slice %arg3[%add3A_606] : memref<3276800xi32, #tpu.memory_space<hbm>> -> memref<512xi32, #tpu.memory_space<hbm>>
      %dma_start3A_612 = arith.constant 0 : i32
      %dma_start3A_613 = tpu.memref_slice %arg5[%dma_start3A_607, %dma_start3A_612] : memref<4x512xi32, #tpu.memory_space<vmem>> -> memref<1x512xi32, #tpu.memory_space<vmem>>
      %dma_start3A_614 = tpu.memref_squeeze %dma_start3A_613 : memref<1x512xi32, #tpu.memory_space<vmem>> -> memref<512xi32, #tpu.memory_space<vmem>>
      %dma_start3A_615 = tpu.memref_slice %arg3[%add3A_606] : memref<3276800xi32, #tpu.memory_space<hbm>> -> memref<512xi32, #tpu.memory_space<hbm>>
      tpu.enqueue_dma source(%dma_start3A_615 : memref<512xi32, #tpu.memory_space<hbm>>) target(%dma_start3A_614 : memref<512xi32, #tpu.memory_space<vmem>>) target_semaphore(%arg10 : memref<!tpu.dma_semaphore, #tpu.memory_space<semaphore_mem>>)
      %add3A_616 = arith.constant 1 : i32
      %add3A_617 = arith.addi %scan3A_310, %add3A_616 : i32
      %mul3A_618 = arith.constant 4 : i32
      %mul3A_619 = arith.muli %add3A_617, %mul3A_618 : i32
      %add3A_620 = arith.constant 0 : i32
      %add3A_621 = arith.addi %mul3A_619, %add3A_620 : i32
      %jit3A_622 = arith.constant 200 : i32
      %eq3A_623 = arith.constant 0 : i32
      %eq3A_624 = arith.cmpi eq, %jit3A_622, %eq3A_623 : i32
      %jit3A_625 = arith.constant 1 : i32
      %select_n3A_626 = arith.select %eq3A_624, %jit3A_625, %jit3A_622 : i32
      %rem3A_627 = arith.remsi %add3A_621, %select_n3A_626 : i32
      %ne3A_628 = arith.constant 0 : i32
      %ne3A_629 = arith.cmpi ne, %rem3A_627, %ne3A_628 : i32
      %lt3A_630 = arith.constant 0 : i32
      %lt3A_631 = arith.cmpi slt, %rem3A_627, %lt3A_630 : i32
      %lt3A_632 = arith.constant 0 : i32
      %lt3A_633 = arith.cmpi slt, %select_n3A_626, %lt3A_632 : i32
      %ne3A_634 = arith.xori %lt3A_631, %lt3A_633 : i1
      %and3A_635 = arith.andi %ne3A_634, %ne3A_629 : i1
      %add3A_636 = arith.addi %rem3A_627, %select_n3A_626 : i32
      %select_n3A_637 = arith.select %and3A_635, %add3A_636, %rem3A_627 : i32
      %mul3A_638 = arith.constant 512 : i32
      %mul3A_639 = arith.muli %select_n3A_637, %mul3A_638 : i32
      %add3A_640 = arith.addi %mul3A_2, %mul3A_639 : i32
      %dma_wait3A_641 = arith.constant 0 : i32
      %dma_wait3A_642 = arith.constant 0 : i32
      %dma_wait3A_643 = arith.constant 0 : i32
      %dma_wait3A_644 = tpu.memref_slice %arg6[%dma_wait3A_641, %dma_wait3A_642, %dma_wait3A_643] : memref<4x512x32xf32, #tpu.memory_space<vmem>> -> memref<1x512x32xf32, #tpu.memory_space<vmem>>
      %dma_wait3A_645 = tpu.memref_squeeze %dma_wait3A_644 : memref<1x512x32xf32, #tpu.memory_space<vmem>> -> memref<512x32xf32, #tpu.memory_space<vmem>>
      %dma_wait3A_646 = arith.constant 0 : i32
      %dma_wait3A_647 = tpu.memref_slice %arg4[%add3A_640, %dma_wait3A_646] : memref<3276800x32xf32, #tpu.memory_space<hbm>> -> memref<512x32xf32, #tpu.memory_space<hbm>>
      %dma_wait3A_648 = arith.constant 0 : i32
      %dma_wait3A_649 = tpu.memref_slice %arg4[%add3A_640, %dma_wait3A_648] : memref<3276800x32xf32, #tpu.memory_space<hbm>> -> memref<512x32xf32, #tpu.memory_space<hbm>>
      %dma_wait3A_650 = arith.constant 0 : i32
      %dma_wait3A_651 = arith.constant 0 : i32
      %dma_wait3A_652 = tpu.memref_slice %arg6[%dma_wait3A_641, %dma_wait3A_650, %dma_wait3A_651] : memref<4x512x32xf32, #tpu.memory_space<vmem>> -> memref<1x512x32xf32, #tpu.memory_space<vmem>>
      %dma_wait3A_653 = tpu.memref_squeeze %dma_wait3A_652 : memref<1x512x32xf32, #tpu.memory_space<vmem>> -> memref<512x32xf32, #tpu.memory_space<vmem>>
      tpu.wait_dma2 semaphore(%arg15 : memref<!tpu.dma_semaphore, #tpu.memory_space<semaphore_mem>>) src(%dma_wait3A_653 : memref<512x32xf32, #tpu.memory_space<vmem>>) dst(%dma_wait3A_649 : memref<512x32xf32, #tpu.memory_space<hbm>>)
      %jit3A_654 = arith.constant 200 : i32
      %eq3A_655 = arith.constant 0 : i32
      %eq3A_656 = arith.cmpi eq, %jit3A_654, %eq3A_655 : i32
      %jit3A_657 = arith.constant 1 : i32
      %select_n3A_658 = arith.select %eq3A_656, %jit3A_657, %jit3A_654 : i32
      %rem3A_659 = arith.remsi %add3A_621, %select_n3A_658 : i32
      %ne3A_660 = arith.constant 0 : i32
      %ne3A_661 = arith.cmpi ne, %rem3A_659, %ne3A_660 : i32
      %lt3A_662 = arith.constant 0 : i32
      %lt3A_663 = arith.cmpi slt, %rem3A_659, %lt3A_662 : i32
      %lt3A_664 = arith.constant 0 : i32
      %lt3A_665 = arith.cmpi slt, %select_n3A_658, %lt3A_664 : i32
      %ne3A_666 = arith.xori %lt3A_663, %lt3A_665 : i1
      %and3A_667 = arith.andi %ne3A_666, %ne3A_661 : i1
      %add3A_668 = arith.addi %rem3A_659, %select_n3A_658 : i32
      %select_n3A_669 = arith.select %and3A_667, %add3A_668, %rem3A_659 : i32
      %mul3A_670 = arith.constant 512 : i32
      %mul3A_671 = arith.muli %select_n3A_669, %mul3A_670 : i32
      %add3A_672 = arith.addi %mul3A_2, %mul3A_671 : i32
      %dma_wait3A_673 = arith.constant 0 : i32
      %dma_wait3A_674 = arith.constant 0 : i32
      %dma_wait3A_675 = tpu.memref_slice %arg5[%dma_wait3A_673, %dma_wait3A_674] : memref<4x512xi32, #tpu.memory_space<vmem>> -> memref<1x512xi32, #tpu.memory_space<vmem>>
      %dma_wait3A_676 = tpu.memref_squeeze %dma_wait3A_675 : memref<1x512xi32, #tpu.memory_space<vmem>> -> memref<512xi32, #tpu.memory_space<vmem>>
      %dma_wait3A_677 = tpu.memref_slice %arg3[%add3A_672] : memref<3276800xi32, #tpu.memory_space<hbm>> -> memref<512xi32, #tpu.memory_space<hbm>>
      %dma_wait3A_678 = arith.constant 0 : i32
      %dma_wait3A_679 = tpu.memref_slice %arg5[%dma_wait3A_673, %dma_wait3A_678] : memref<4x512xi32, #tpu.memory_space<vmem>> -> memref<1x512xi32, #tpu.memory_space<vmem>>
      %dma_wait3A_680 = tpu.memref_squeeze %dma_wait3A_679 : memref<1x512xi32, #tpu.memory_space<vmem>> -> memref<512xi32, #tpu.memory_space<vmem>>
      %dma_wait3A_681 = tpu.memref_slice %arg3[%add3A_672] : memref<3276800xi32, #tpu.memory_space<hbm>> -> memref<512xi32, #tpu.memory_space<hbm>>
      tpu.wait_dma2 semaphore(%arg7 : memref<!tpu.dma_semaphore, #tpu.memory_space<semaphore_mem>>) src(%dma_wait3A_681 : memref<512xi32, #tpu.memory_space<hbm>>) dst(%dma_wait3A_680 : memref<512xi32, #tpu.memory_space<vmem>>)
      %dma_start3A_682 = arith.constant 0 : i32
      %dma_start3A_683 = arith.constant 0 : i32
      %dma_start3A_684 = arith.constant 0 : i32
      %dma_start3A_685 = arith.constant 0 : i32
      %dma_start3A_686 = tpu.memref_slice %arg6[%dma_start3A_683, %dma_start3A_684, %dma_start3A_685] : memref<4x512x32xf32, #tpu.memory_space<vmem>> -> memref<1x512x32xf32, #tpu.memory_space<vmem>>
      %dma_start3A_687 = tpu.memref_squeeze %dma_start3A_686 : memref<1x512x32xf32, #tpu.memory_space<vmem>> -> memref<512x32xf32, #tpu.memory_space<vmem>>
      %dma_start3A_688 = arith.constant 0 : i32
      %dma_start3A_689 = tpu.memref_slice %arg5[%dma_start3A_682, %dma_start3A_688] : memref<4x512xi32, #tpu.memory_space<vmem>> -> memref<1x512xi32, #tpu.memory_space<vmem>>
      %dma_start3A_690 = tpu.memref_squeeze %dma_start3A_689 : memref<1x512xi32, #tpu.memory_space<vmem>> -> memref<512xi32, #tpu.memory_space<vmem>>
      %dma_start3A_691 = arith.constant 0 : i32
      %dma_start3A_692 = arith.constant 0 : i32
      %dma_start3A_693 = tpu.memref_slice %arg2[%dma_start3A_691, %dma_start3A_692] : memref<1000000x32xf32, #tpu.memory_space<hbm>> -> memref<1000000x32xf32, #tpu.memory_space<hbm>>
      tpu.enqueue_indirect_dma source(%dma_start3A_693 : memref<1000000x32xf32, #tpu.memory_space<hbm>>) target(%dma_start3A_687 : memref<512x32xf32, #tpu.memory_space<vmem>>) offsets(%dma_start3A_690 : memref<512xi32, #tpu.memory_space<vmem>>) semaphore(%arg11 : memref<!tpu.dma_semaphore, #tpu.memory_space<semaphore_mem>>)
      %add3A_694 = arith.constant 1 : i32
      %add3A_695 = arith.addi %scan3A_310, %add3A_694 : i32
      %mul3A_696 = arith.constant 4 : i32
      %mul3A_697 = arith.muli %add3A_695, %mul3A_696 : i32
      %add3A_698 = arith.constant 1 : i32
      %add3A_699 = arith.addi %mul3A_697, %add3A_698 : i32
      %jit3A_700 = arith.constant 200 : i32
      %eq3A_701 = arith.constant 0 : i32
      %eq3A_702 = arith.cmpi eq, %jit3A_700, %eq3A_701 : i32
      %jit3A_703 = arith.constant 1 : i32
      %select_n3A_704 = arith.select %eq3A_702, %jit3A_703, %jit3A_700 : i32
      %rem3A_705 = arith.remsi %add3A_699, %select_n3A_704 : i32
      %ne3A_706 = arith.constant 0 : i32
      %ne3A_707 = arith.cmpi ne, %rem3A_705, %ne3A_706 : i32
      %lt3A_708 = arith.constant 0 : i32
      %lt3A_709 = arith.cmpi slt, %rem3A_705, %lt3A_708 : i32
      %lt3A_710 = arith.constant 0 : i32
      %lt3A_711 = arith.cmpi slt, %select_n3A_704, %lt3A_710 : i32
      %ne3A_712 = arith.xori %lt3A_709, %lt3A_711 : i1
      %and3A_713 = arith.andi %ne3A_712, %ne3A_707 : i1
      %add3A_714 = arith.addi %rem3A_705, %select_n3A_704 : i32
      %select_n3A_715 = arith.select %and3A_713, %add3A_714, %rem3A_705 : i32
      %mul3A_716 = arith.constant 512 : i32
      %mul3A_717 = arith.muli %select_n3A_715, %mul3A_716 : i32
      %add3A_718 = arith.addi %mul3A_2, %mul3A_717 : i32
      %dma_wait3A_719 = arith.constant 1 : i32
      %dma_wait3A_720 = arith.constant 0 : i32
      %dma_wait3A_721 = arith.constant 0 : i32
      %dma_wait3A_722 = tpu.memref_slice %arg6[%dma_wait3A_719, %dma_wait3A_720, %dma_wait3A_721] : memref<4x512x32xf32, #tpu.memory_space<vmem>> -> memref<1x512x32xf32, #tpu.memory_space<vmem>>
      %dma_wait3A_723 = tpu.memref_squeeze %dma_wait3A_722 : memref<1x512x32xf32, #tpu.memory_space<vmem>> -> memref<512x32xf32, #tpu.memory_space<vmem>>
      %dma_wait3A_724 = arith.constant 0 : i32
      %dma_wait3A_725 = tpu.memref_slice %arg4[%add3A_718, %dma_wait3A_724] : memref<3276800x32xf32, #tpu.memory_space<hbm>> -> memref<512x32xf32, #tpu.memory_space<hbm>>
      %dma_wait3A_726 = arith.constant 0 : i32
      %dma_wait3A_727 = tpu.memref_slice %arg4[%add3A_718, %dma_wait3A_726] : memref<3276800x32xf32, #tpu.memory_space<hbm>> -> memref<512x32xf32, #tpu.memory_space<hbm>>
      %dma_wait3A_728 = arith.constant 0 : i32
      %dma_wait3A_729 = arith.constant 0 : i32
      %dma_wait3A_730 = tpu.memref_slice %arg6[%dma_wait3A_719, %dma_wait3A_728, %dma_wait3A_729] : memref<4x512x32xf32, #tpu.memory_space<vmem>> -> memref<1x512x32xf32, #tpu.memory_space<vmem>>
      %dma_wait3A_731 = tpu.memref_squeeze %dma_wait3A_730 : memref<1x512x32xf32, #tpu.memory_space<vmem>> -> memref<512x32xf32, #tpu.memory_space<vmem>>
      tpu.wait_dma2 semaphore(%arg16 : memref<!tpu.dma_semaphore, #tpu.memory_space<semaphore_mem>>) src(%dma_wait3A_731 : memref<512x32xf32, #tpu.memory_space<vmem>>) dst(%dma_wait3A_727 : memref<512x32xf32, #tpu.memory_space<hbm>>)
      %jit3A_732 = arith.constant 200 : i32
      %eq3A_733 = arith.constant 0 : i32
      %eq3A_734 = arith.cmpi eq, %jit3A_732, %eq3A_733 : i32
      %jit3A_735 = arith.constant 1 : i32
      %select_n3A_736 = arith.select %eq3A_734, %jit3A_735, %jit3A_732 : i32
      %rem3A_737 = arith.remsi %add3A_699, %select_n3A_736 : i32
      %ne3A_738 = arith.constant 0 : i32
      %ne3A_739 = arith.cmpi ne, %rem3A_737, %ne3A_738 : i32
      %lt3A_740 = arith.constant 0 : i32
      %lt3A_741 = arith.cmpi slt, %rem3A_737, %lt3A_740 : i32
      %lt3A_742 = arith.constant 0 : i32
      %lt3A_743 = arith.cmpi slt, %select_n3A_736, %lt3A_742 : i32
      %ne3A_744 = arith.xori %lt3A_741, %lt3A_743 : i1
      %and3A_745 = arith.andi %ne3A_744, %ne3A_739 : i1
      %add3A_746 = arith.addi %rem3A_737, %select_n3A_736 : i32
      %select_n3A_747 = arith.select %and3A_745, %add3A_746, %rem3A_737 : i32
      %mul3A_748 = arith.constant 512 : i32
      %mul3A_749 = arith.muli %select_n3A_747, %mul3A_748 : i32
      %add3A_750 = arith.addi %mul3A_2, %mul3A_749 : i32
      %dma_wait3A_751 = arith.constant 1 : i32
      %dma_wait3A_752 = arith.constant 0 : i32
      %dma_wait3A_753 = tpu.memref_slice %arg5[%dma_wait3A_751, %dma_wait3A_752] : memref<4x512xi32, #tpu.memory_space<vmem>> -> memref<1x512xi32, #tpu.memory_space<vmem>>
      %dma_wait3A_754 = tpu.memref_squeeze %dma_wait3A_753 : memref<1x512xi32, #tpu.memory_space<vmem>> -> memref<512xi32, #tpu.memory_space<vmem>>
      %dma_wait3A_755 = tpu.memref_slice %arg3[%add3A_750] : memref<3276800xi32, #tpu.memory_space<hbm>> -> memref<512xi32, #tpu.memory_space<hbm>>
      %dma_wait3A_756 = arith.constant 0 : i32
      %dma_wait3A_757 = tpu.memref_slice %arg5[%dma_wait3A_751, %dma_wait3A_756] : memref<4x512xi32, #tpu.memory_space<vmem>> -> memref<1x512xi32, #tpu.memory_space<vmem>>
      %dma_wait3A_758 = tpu.memref_squeeze %dma_wait3A_757 : memref<1x512xi32, #tpu.memory_space<vmem>> -> memref<512xi32, #tpu.memory_space<vmem>>
      %dma_wait3A_759 = tpu.memref_slice %arg3[%add3A_750] : memref<3276800xi32, #tpu.memory_space<hbm>> -> memref<512xi32, #tpu.memory_space<hbm>>
      tpu.wait_dma2 semaphore(%arg8 : memref<!tpu.dma_semaphore, #tpu.memory_space<semaphore_mem>>) src(%dma_wait3A_759 : memref<512xi32, #tpu.memory_space<hbm>>) dst(%dma_wait3A_758 : memref<512xi32, #tpu.memory_space<vmem>>)
      %dma_start3A_760 = arith.constant 1 : i32
      %dma_start3A_761 = arith.constant 1 : i32
      %dma_start3A_762 = arith.constant 0 : i32
      %dma_start3A_763 = arith.constant 0 : i32
      %dma_start3A_764 = tpu.memref_slice %arg6[%dma_start3A_761, %dma_start3A_762, %dma_start3A_763] : memref<4x512x32xf32, #tpu.memory_space<vmem>> -> memref<1x512x32xf32, #tpu.memory_space<vmem>>
      %dma_start3A_765 = tpu.memref_squeeze %dma_start3A_764 : memref<1x512x32xf32, #tpu.memory_space<vmem>> -> memref<512x32xf32, #tpu.memory_space<vmem>>
      %dma_start3A_766 = arith.constant 0 : i32
      %dma_start3A_767 = tpu.memref_slice %arg5[%dma_start3A_760, %dma_start3A_766] : memref<4x512xi32, #tpu.memory_space<vmem>> -> memref<1x512xi32, #tpu.memory_space<vmem>>
      %dma_start3A_768 = tpu.memref_squeeze %dma_start3A_767 : memref<1x512xi32, #tpu.memory_space<vmem>> -> memref<512xi32, #tpu.memory_space<vmem>>
      %dma_start3A_769 = arith.constant 0 : i32
      %dma_start3A_770 = arith.constant 0 : i32
      %dma_start3A_771 = tpu.memref_slice %arg2[%dma_start3A_769, %dma_start3A_770] : memref<1000000x32xf32, #tpu.memory_space<hbm>> -> memref<1000000x32xf32, #tpu.memory_space<hbm>>
      tpu.enqueue_indirect_dma source(%dma_start3A_771 : memref<1000000x32xf32, #tpu.memory_space<hbm>>) target(%dma_start3A_765 : memref<512x32xf32, #tpu.memory_space<vmem>>) offsets(%dma_start3A_768 : memref<512xi32, #tpu.memory_space<vmem>>) semaphore(%arg12 : memref<!tpu.dma_semaphore, #tpu.memory_space<semaphore_mem>>)
      %add3A_772 = arith.constant 1 : i32
      %add3A_773 = arith.addi %scan3A_310, %add3A_772 : i32
      %mul3A_774 = arith.constant 4 : i32
      %mul3A_775 = arith.muli %add3A_773, %mul3A_774 : i32
      %add3A_776 = arith.constant 2 : i32
      %add3A_777 = arith.addi %mul3A_775, %add3A_776 : i32
      %jit3A_778 = arith.constant 200 : i32
      %eq3A_779 = arith.constant 0 : i32
      %eq3A_780 = arith.cmpi eq, %jit3A_778, %eq3A_779 : i32
      %jit3A_781 = arith.constant 1 : i32
      %select_n3A_782 = arith.select %eq3A_780, %jit3A_781, %jit3A_778 : i32
      %rem3A_783 = arith.remsi %add3A_777, %select_n3A_782 : i32
      %ne3A_784 = arith.constant 0 : i32
      %ne3A_785 = arith.cmpi ne, %rem3A_783, %ne3A_784 : i32
      %lt3A_786 = arith.constant 0 : i32
      %lt3A_787 = arith.cmpi slt, %rem3A_783, %lt3A_786 : i32
      %lt3A_788 = arith.constant 0 : i32
      %lt3A_789 = arith.cmpi slt, %select_n3A_782, %lt3A_788 : i32
      %ne3A_790 = arith.xori %lt3A_787, %lt3A_789 : i1
      %and3A_791 = arith.andi %ne3A_790, %ne3A_785 : i1
      %add3A_792 = arith.addi %rem3A_783, %select_n3A_782 : i32
      %select_n3A_793 = arith.select %and3A_791, %add3A_792, %rem3A_783 : i32
      %mul3A_794 = arith.constant 512 : i32
      %mul3A_795 = arith.muli %select_n3A_793, %mul3A_794 : i32
      %add3A_796 = arith.addi %mul3A_2, %mul3A_795 : i32
      %dma_wait3A_797 = arith.constant 2 : i32
      %dma_wait3A_798 = arith.constant 0 : i32
      %dma_wait3A_799 = arith.constant 0 : i32
      %dma_wait3A_800 = tpu.memref_slice %arg6[%dma_wait3A_797, %dma_wait3A_798, %dma_wait3A_799] : memref<4x512x32xf32, #tpu.memory_space<vmem>> -> memref<1x512x32xf32, #tpu.memory_space<vmem>>
      %dma_wait3A_801 = tpu.memref_squeeze %dma_wait3A_800 : memref<1x512x32xf32, #tpu.memory_space<vmem>> -> memref<512x32xf32, #tpu.memory_space<vmem>>
      %dma_wait3A_802 = arith.constant 0 : i32
      %dma_wait3A_803 = tpu.memref_slice %arg4[%add3A_796, %dma_wait3A_802] : memref<3276800x32xf32, #tpu.memory_space<hbm>> -> memref<512x32xf32, #tpu.memory_space<hbm>>
      %dma_wait3A_804 = arith.constant 0 : i32
      %dma_wait3A_805 = tpu.memref_slice %arg4[%add3A_796, %dma_wait3A_804] : memref<3276800x32xf32, #tpu.memory_space<hbm>> -> memref<512x32xf32, #tpu.memory_space<hbm>>
      %dma_wait3A_806 = arith.constant 0 : i32
      %dma_wait3A_807 = arith.constant 0 : i32
      %dma_wait3A_808 = tpu.memref_slice %arg6[%dma_wait3A_797, %dma_wait3A_806, %dma_wait3A_807] : memref<4x512x32xf32, #tpu.memory_space<vmem>> -> memref<1x512x32xf32, #tpu.memory_space<vmem>>
      %dma_wait3A_809 = tpu.memref_squeeze %dma_wait3A_808 : memref<1x512x32xf32, #tpu.memory_space<vmem>> -> memref<512x32xf32, #tpu.memory_space<vmem>>
      tpu.wait_dma2 semaphore(%arg17 : memref<!tpu.dma_semaphore, #tpu.memory_space<semaphore_mem>>) src(%dma_wait3A_809 : memref<512x32xf32, #tpu.memory_space<vmem>>) dst(%dma_wait3A_805 : memref<512x32xf32, #tpu.memory_space<hbm>>)
      %jit3A_810 = arith.constant 200 : i32
      %eq3A_811 = arith.constant 0 : i32
      %eq3A_812 = arith.cmpi eq, %jit3A_810, %eq3A_811 : i32
      %jit3A_813 = arith.constant 1 : i32
      %select_n3A_814 = arith.select %eq3A_812, %jit3A_813, %jit3A_810 : i32
      %rem3A_815 = arith.remsi %add3A_777, %select_n3A_814 : i32
      %ne3A_816 = arith.constant 0 : i32
      %ne3A_817 = arith.cmpi ne, %rem3A_815, %ne3A_816 : i32
      %lt3A_818 = arith.constant 0 : i32
      %lt3A_819 = arith.cmpi slt, %rem3A_815, %lt3A_818 : i32
      %lt3A_820 = arith.constant 0 : i32
      %lt3A_821 = arith.cmpi slt, %select_n3A_814, %lt3A_820 : i32
      %ne3A_822 = arith.xori %lt3A_819, %lt3A_821 : i1
      %and3A_823 = arith.andi %ne3A_822, %ne3A_817 : i1
      %add3A_824 = arith.addi %rem3A_815, %select_n3A_814 : i32
      %select_n3A_825 = arith.select %and3A_823, %add3A_824, %rem3A_815 : i32
      %mul3A_826 = arith.constant 512 : i32
      %mul3A_827 = arith.muli %select_n3A_825, %mul3A_826 : i32
      %add3A_828 = arith.addi %mul3A_2, %mul3A_827 : i32
      %dma_wait3A_829 = arith.constant 2 : i32
      %dma_wait3A_830 = arith.constant 0 : i32
      %dma_wait3A_831 = tpu.memref_slice %arg5[%dma_wait3A_829, %dma_wait3A_830] : memref<4x512xi32, #tpu.memory_space<vmem>> -> memref<1x512xi32, #tpu.memory_space<vmem>>
      %dma_wait3A_832 = tpu.memref_squeeze %dma_wait3A_831 : memref<1x512xi32, #tpu.memory_space<vmem>> -> memref<512xi32, #tpu.memory_space<vmem>>
      %dma_wait3A_833 = tpu.memref_slice %arg3[%add3A_828] : memref<3276800xi32, #tpu.memory_space<hbm>> -> memref<512xi32, #tpu.memory_space<hbm>>
      %dma_wait3A_834 = arith.constant 0 : i32
      %dma_wait3A_835 = tpu.memref_slice %arg5[%dma_wait3A_829, %dma_wait3A_834] : memref<4x512xi32, #tpu.memory_space<vmem>> -> memref<1x512xi32, #tpu.memory_space<vmem>>
      %dma_wait3A_836 = tpu.memref_squeeze %dma_wait3A_835 : memref<1x512xi32, #tpu.memory_space<vmem>> -> memref<512xi32, #tpu.memory_space<vmem>>
      %dma_wait3A_837 = tpu.memref_slice %arg3[%add3A_828] : memref<3276800xi32, #tpu.memory_space<hbm>> -> memref<512xi32, #tpu.memory_space<hbm>>
      tpu.wait_dma2 semaphore(%arg9 : memref<!tpu.dma_semaphore, #tpu.memory_space<semaphore_mem>>) src(%dma_wait3A_837 : memref<512xi32, #tpu.memory_space<hbm>>) dst(%dma_wait3A_836 : memref<512xi32, #tpu.memory_space<vmem>>)
      %dma_start3A_838 = arith.constant 2 : i32
      %dma_start3A_839 = arith.constant 2 : i32
      %dma_start3A_840 = arith.constant 0 : i32
      %dma_start3A_841 = arith.constant 0 : i32
      %dma_start3A_842 = tpu.memref_slice %arg6[%dma_start3A_839, %dma_start3A_840, %dma_start3A_841] : memref<4x512x32xf32, #tpu.memory_space<vmem>> -> memref<1x512x32xf32, #tpu.memory_space<vmem>>
      %dma_start3A_843 = tpu.memref_squeeze %dma_start3A_842 : memref<1x512x32xf32, #tpu.memory_space<vmem>> -> memref<512x32xf32, #tpu.memory_space<vmem>>
      %dma_start3A_844 = arith.constant 0 : i32
      %dma_start3A_845 = tpu.memref_slice %arg5[%dma_start3A_838, %dma_start3A_844] : memref<4x512xi32, #tpu.memory_space<vmem>> -> memref<1x512xi32, #tpu.memory_space<vmem>>
      %dma_start3A_846 = tpu.memref_squeeze %dma_start3A_845 : memref<1x512xi32, #tpu.memory_space<vmem>> -> memref<512xi32, #tpu.memory_space<vmem>>
      %dma_start3A_847 = arith.constant 0 : i32
      %dma_start3A_848 = arith.constant 0 : i32
      %dma_start3A_849 = tpu.memref_slice %arg2[%dma_start3A_847, %dma_start3A_848] : memref<1000000x32xf32, #tpu.memory_space<hbm>> -> memref<1000000x32xf32, #tpu.memory_space<hbm>>
      tpu.enqueue_indirect_dma source(%dma_start3A_849 : memref<1000000x32xf32, #tpu.memory_space<hbm>>) target(%dma_start3A_843 : memref<512x32xf32, #tpu.memory_space<vmem>>) offsets(%dma_start3A_846 : memref<512xi32, #tpu.memory_space<vmem>>) semaphore(%arg13 : memref<!tpu.dma_semaphore, #tpu.memory_space<semaphore_mem>>)
      %add3A_850 = arith.constant 1 : i32
      %add3A_851 = arith.addi %scan3A_310, %add3A_850 : i32
      %mul3A_852 = arith.constant 4 : i32
      %mul3A_853 = arith.muli %add3A_851, %mul3A_852 : i32
      %add3A_854 = arith.constant 3 : i32
      %add3A_855 = arith.addi %mul3A_853, %add3A_854 : i32
      %jit3A_856 = arith.constant 200 : i32
      %eq3A_857 = arith.constant 0 : i32
      %eq3A_858 = arith.cmpi eq, %jit3A_856, %eq3A_857 : i32
      %jit3A_859 = arith.constant 1 : i32
      %select_n3A_860 = arith.select %eq3A_858, %jit3A_859, %jit3A_856 : i32
      %rem3A_861 = arith.remsi %add3A_855, %select_n3A_860 : i32
      %ne3A_862 = arith.constant 0 : i32
      %ne3A_863 = arith.cmpi ne, %rem3A_861, %ne3A_862 : i32
      %lt3A_864 = arith.constant 0 : i32
      %lt3A_865 = arith.cmpi slt, %rem3A_861, %lt3A_864 : i32
      %lt3A_866 = arith.constant 0 : i32
      %lt3A_867 = arith.cmpi slt, %select_n3A_860, %lt3A_866 : i32
      %ne3A_868 = arith.xori %lt3A_865, %lt3A_867 : i1
      %and3A_869 = arith.andi %ne3A_868, %ne3A_863 : i1
      %add3A_870 = arith.addi %rem3A_861, %select_n3A_860 : i32
      %select_n3A_871 = arith.select %and3A_869, %add3A_870, %rem3A_861 : i32
      %mul3A_872 = arith.constant 512 : i32
      %mul3A_873 = arith.muli %select_n3A_871, %mul3A_872 : i32
      %add3A_874 = arith.addi %mul3A_2, %mul3A_873 : i32
      %dma_wait3A_875 = arith.constant 3 : i32
      %dma_wait3A_876 = arith.constant 0 : i32
      %dma_wait3A_877 = arith.constant 0 : i32
      %dma_wait3A_878 = tpu.memref_slice %arg6[%dma_wait3A_875, %dma_wait3A_876, %dma_wait3A_877] : memref<4x512x32xf32, #tpu.memory_space<vmem>> -> memref<1x512x32xf32, #tpu.memory_space<vmem>>
      %dma_wait3A_879 = tpu.memref_squeeze %dma_wait3A_878 : memref<1x512x32xf32, #tpu.memory_space<vmem>> -> memref<512x32xf32, #tpu.memory_space<vmem>>
      %dma_wait3A_880 = arith.constant 0 : i32
      %dma_wait3A_881 = tpu.memref_slice %arg4[%add3A_874, %dma_wait3A_880] : memref<3276800x32xf32, #tpu.memory_space<hbm>> -> memref<512x32xf32, #tpu.memory_space<hbm>>
      %dma_wait3A_882 = arith.constant 0 : i32
      %dma_wait3A_883 = tpu.memref_slice %arg4[%add3A_874, %dma_wait3A_882] : memref<3276800x32xf32, #tpu.memory_space<hbm>> -> memref<512x32xf32, #tpu.memory_space<hbm>>
      %dma_wait3A_884 = arith.constant 0 : i32
      %dma_wait3A_885 = arith.constant 0 : i32
      %dma_wait3A_886 = tpu.memref_slice %arg6[%dma_wait3A_875, %dma_wait3A_884, %dma_wait3A_885] : memref<4x512x32xf32, #tpu.memory_space<vmem>> -> memref<1x512x32xf32, #tpu.memory_space<vmem>>
      %dma_wait3A_887 = tpu.memref_squeeze %dma_wait3A_886 : memref<1x512x32xf32, #tpu.memory_space<vmem>> -> memref<512x32xf32, #tpu.memory_space<vmem>>
      tpu.wait_dma2 semaphore(%arg18 : memref<!tpu.dma_semaphore, #tpu.memory_space<semaphore_mem>>) src(%dma_wait3A_887 : memref<512x32xf32, #tpu.memory_space<vmem>>) dst(%dma_wait3A_883 : memref<512x32xf32, #tpu.memory_space<hbm>>)
      %jit3A_888 = arith.constant 200 : i32
      %eq3A_889 = arith.constant 0 : i32
      %eq3A_890 = arith.cmpi eq, %jit3A_888, %eq3A_889 : i32
      %jit3A_891 = arith.constant 1 : i32
      %select_n3A_892 = arith.select %eq3A_890, %jit3A_891, %jit3A_888 : i32
      %rem3A_893 = arith.remsi %add3A_855, %select_n3A_892 : i32
      %ne3A_894 = arith.constant 0 : i32
      %ne3A_895 = arith.cmpi ne, %rem3A_893, %ne3A_894 : i32
      %lt3A_896 = arith.constant 0 : i32
      %lt3A_897 = arith.cmpi slt, %rem3A_893, %lt3A_896 : i32
      %lt3A_898 = arith.constant 0 : i32
      %lt3A_899 = arith.cmpi slt, %select_n3A_892, %lt3A_898 : i32
      %ne3A_900 = arith.xori %lt3A_897, %lt3A_899 : i1
      %and3A_901 = arith.andi %ne3A_900, %ne3A_895 : i1
      %add3A_902 = arith.addi %rem3A_893, %select_n3A_892 : i32
      %select_n3A_903 = arith.select %and3A_901, %add3A_902, %rem3A_893 : i32
      %mul3A_904 = arith.constant 512 : i32
      %mul3A_905 = arith.muli %select_n3A_903, %mul3A_904 : i32
      %add3A_906 = arith.addi %mul3A_2, %mul3A_905 : i32
      %dma_wait3A_907 = arith.constant 3 : i32
      %dma_wait3A_908 = arith.constant 0 : i32
      %dma_wait3A_909 = tpu.memref_slice %arg5[%dma_wait3A_907, %dma_wait3A_908] : memref<4x512xi32, #tpu.memory_space<vmem>> -> memref<1x512xi32, #tpu.memory_space<vmem>>
      %dma_wait3A_910 = tpu.memref_squeeze %dma_wait3A_909 : memref<1x512xi32, #tpu.memory_space<vmem>> -> memref<512xi32, #tpu.memory_space<vmem>>
      %dma_wait3A_911 = tpu.memref_slice %arg3[%add3A_906] : memref<3276800xi32, #tpu.memory_space<hbm>> -> memref<512xi32, #tpu.memory_space<hbm>>
      %dma_wait3A_912 = arith.constant 0 : i32
      %dma_wait3A_913 = tpu.memref_slice %arg5[%dma_wait3A_907, %dma_wait3A_912] : memref<4x512xi32, #tpu.memory_space<vmem>> -> memref<1x512xi32, #tpu.memory_space<vmem>>
      %dma_wait3A_914 = tpu.memref_squeeze %dma_wait3A_913 : memref<1x512xi32, #tpu.memory_space<vmem>> -> memref<512xi32, #tpu.memory_space<vmem>>
      %dma_wait3A_915 = tpu.memref_slice %arg3[%add3A_906] : memref<3276800xi32, #tpu.memory_space<hbm>> -> memref<512xi32, #tpu.memory_space<hbm>>
      tpu.wait_dma2 semaphore(%arg10 : memref<!tpu.dma_semaphore, #tpu.memory_space<semaphore_mem>>) src(%dma_wait3A_915 : memref<512xi32, #tpu.memory_space<hbm>>) dst(%dma_wait3A_914 : memref<512xi32, #tpu.memory_space<vmem>>)
      %dma_start3A_916 = arith.constant 3 : i32
      %dma_start3A_917 = arith.constant 3 : i32
      %dma_start3A_918 = arith.constant 0 : i32
      %dma_start3A_919 = arith.constant 0 : i32
      %dma_start3A_920 = tpu.memref_slice %arg6[%dma_start3A_917, %dma_start3A_918, %dma_start3A_919] : memref<4x512x32xf32, #tpu.memory_space<vmem>> -> memref<1x512x32xf32, #tpu.memory_space<vmem>>
      %dma_start3A_921 = tpu.memref_squeeze %dma_start3A_920 : memref<1x512x32xf32, #tpu.memory_space<vmem>> -> memref<512x32xf32, #tpu.memory_space<vmem>>
      %dma_start3A_922 = arith.constant 0 : i32
      %dma_start3A_923 = tpu.memref_slice %arg5[%dma_start3A_916, %dma_start3A_922] : memref<4x512xi32, #tpu.memory_space<vmem>> -> memref<1x512xi32, #tpu.memory_space<vmem>>
      %dma_start3A_924 = tpu.memref_squeeze %dma_start3A_923 : memref<1x512xi32, #tpu.memory_space<vmem>> -> memref<512xi32, #tpu.memory_space<vmem>>
      %dma_start3A_925 = arith.constant 0 : i32
      %dma_start3A_926 = arith.constant 0 : i32
      %dma_start3A_927 = tpu.memref_slice %arg2[%dma_start3A_925, %dma_start3A_926] : memref<1000000x32xf32, #tpu.memory_space<hbm>> -> memref<1000000x32xf32, #tpu.memory_space<hbm>>
      tpu.enqueue_indirect_dma source(%dma_start3A_927 : memref<1000000x32xf32, #tpu.memory_space<hbm>>) target(%dma_start3A_921 : memref<512x32xf32, #tpu.memory_space<vmem>>) offsets(%dma_start3A_924 : memref<512xi32, #tpu.memory_space<vmem>>) semaphore(%arg14 : memref<!tpu.dma_semaphore, #tpu.memory_space<semaphore_mem>>)
    }
    %scan3A_141 = arith.constant 49 : i32
    %dma_wait3A_142 = arith.constant 0 : i32
    %dma_wait3A_143 = arith.constant 0 : i32
    %dma_wait3A_144 = arith.constant 0 : i32
    %dma_wait3A_145 = arith.constant 0 : i32
    %dma_wait3A_146 = tpu.memref_slice %arg6[%dma_wait3A_143, %dma_wait3A_144, %dma_wait3A_145] : memref<4x512x32xf32, #tpu.memory_space<vmem>> -> memref<1x512x32xf32, #tpu.memory_space<vmem>>
    %dma_wait3A_147 = tpu.memref_squeeze %dma_wait3A_146 : memref<1x512x32xf32, #tpu.memory_space<vmem>> -> memref<512x32xf32, #tpu.memory_space<vmem>>
    %dma_wait3A_148 = arith.constant 0 : i32
    %dma_wait3A_149 = tpu.memref_slice %arg5[%dma_wait3A_142, %dma_wait3A_148] : memref<4x512xi32, #tpu.memory_space<vmem>> -> memref<1x512xi32, #tpu.memory_space<vmem>>
    %dma_wait3A_150 = tpu.memref_squeeze %dma_wait3A_149 : memref<1x512xi32, #tpu.memory_space<vmem>> -> memref<512xi32, #tpu.memory_space<vmem>>
    %dma_wait3A_151 = arith.constant 0 : i32
    %dma_wait3A_152 = arith.constant 0 : i32
    %dma_wait3A_153 = tpu.memref_slice %arg2[%dma_wait3A_151, %dma_wait3A_152] : memref<1000000x32xf32, #tpu.memory_space<hbm>> -> memref<1000000x32xf32, #tpu.memory_space<hbm>>
    tpu.wait_indirect_dma semaphore(%arg11 : memref<!tpu.dma_semaphore, #tpu.memory_space<semaphore_mem>>) src(%dma_wait3A_153 : memref<1000000x32xf32, #tpu.memory_space<hbm>>) dst(%dma_wait3A_147 : memref<512x32xf32, #tpu.memory_space<vmem>>)
    %add3A_154 = arith.constant 100352 : i32
    %add3A_155 = arith.addi %mul3A_2, %add3A_154 : i32
    %dma_start3A_156 = arith.constant 0 : i32
    %dma_start3A_157 = arith.constant 0 : i32
    %dma_start3A_158 = arith.constant 0 : i32
    %dma_start3A_159 = tpu.memref_slice %arg6[%dma_start3A_156, %dma_start3A_157, %dma_start3A_158] : memref<4x512x32xf32, #tpu.memory_space<vmem>> -> memref<1x512x32xf32, #tpu.memory_space<vmem>>
    %dma_start3A_160 = tpu.memref_squeeze %dma_start3A_159 : memref<1x512x32xf32, #tpu.memory_space<vmem>> -> memref<512x32xf32, #tpu.memory_space<vmem>>
    %dma_start3A_161 = arith.constant 0 : i32
    %dma_start3A_162 = tpu.memref_slice %arg4[%add3A_155, %dma_start3A_161] : memref<3276800x32xf32, #tpu.memory_space<hbm>> -> memref<512x32xf32, #tpu.memory_space<hbm>>
    %dma_start3A_163 = arith.constant 0 : i32
    %dma_start3A_164 = tpu.memref_slice %arg4[%add3A_155, %dma_start3A_163] : memref<3276800x32xf32, #tpu.memory_space<hbm>> -> memref<512x32xf32, #tpu.memory_space<hbm>>
    %dma_start3A_165 = arith.constant 0 : i32
    %dma_start3A_166 = arith.constant 0 : i32
    %dma_start3A_167 = tpu.memref_slice %arg6[%dma_start3A_156, %dma_start3A_165, %dma_start3A_166] : memref<4x512x32xf32, #tpu.memory_space<vmem>> -> memref<1x512x32xf32, #tpu.memory_space<vmem>>
    %dma_start3A_168 = tpu.memref_squeeze %dma_start3A_167 : memref<1x512x32xf32, #tpu.memory_space<vmem>> -> memref<512x32xf32, #tpu.memory_space<vmem>>
    tpu.enqueue_dma source(%dma_start3A_168 : memref<512x32xf32, #tpu.memory_space<vmem>>) target(%dma_start3A_164 : memref<512x32xf32, #tpu.memory_space<hbm>>) target_semaphore(%arg15 : memref<!tpu.dma_semaphore, #tpu.memory_space<semaphore_mem>>)
    %dma_wait3A_169 = arith.constant 1 : i32
    %dma_wait3A_170 = arith.constant 1 : i32
    %dma_wait3A_171 = arith.constant 0 : i32
    %dma_wait3A_172 = arith.constant 0 : i32
    %dma_wait3A_173 = tpu.memref_slice %arg6[%dma_wait3A_170, %dma_wait3A_171, %dma_wait3A_172] : memref<4x512x32xf32, #tpu.memory_space<vmem>> -> memref<1x512x32xf32, #tpu.memory_space<vmem>>
    %dma_wait3A_174 = tpu.memref_squeeze %dma_wait3A_173 : memref<1x512x32xf32, #tpu.memory_space<vmem>> -> memref<512x32xf32, #tpu.memory_space<vmem>>
    %dma_wait3A_175 = arith.constant 0 : i32
    %dma_wait3A_176 = tpu.memref_slice %arg5[%dma_wait3A_169, %dma_wait3A_175] : memref<4x512xi32, #tpu.memory_space<vmem>> -> memref<1x512xi32, #tpu.memory_space<vmem>>
    %dma_wait3A_177 = tpu.memref_squeeze %dma_wait3A_176 : memref<1x512xi32, #tpu.memory_space<vmem>> -> memref<512xi32, #tpu.memory_space<vmem>>
    %dma_wait3A_178 = arith.constant 0 : i32
    %dma_wait3A_179 = arith.constant 0 : i32
    %dma_wait3A_180 = tpu.memref_slice %arg2[%dma_wait3A_178, %dma_wait3A_179] : memref<1000000x32xf32, #tpu.memory_space<hbm>> -> memref<1000000x32xf32, #tpu.memory_space<hbm>>
    tpu.wait_indirect_dma semaphore(%arg12 : memref<!tpu.dma_semaphore, #tpu.memory_space<semaphore_mem>>) src(%dma_wait3A_180 : memref<1000000x32xf32, #tpu.memory_space<hbm>>) dst(%dma_wait3A_174 : memref<512x32xf32, #tpu.memory_space<vmem>>)
    %add3A_181 = arith.constant 100864 : i32
    %add3A_182 = arith.addi %mul3A_2, %add3A_181 : i32
    %dma_start3A_183 = arith.constant 1 : i32
    %dma_start3A_184 = arith.constant 0 : i32
    %dma_start3A_185 = arith.constant 0 : i32
    %dma_start3A_186 = tpu.memref_slice %arg6[%dma_start3A_183, %dma_start3A_184, %dma_start3A_185] : memref<4x512x32xf32, #tpu.memory_space<vmem>> -> memref<1x512x32xf32, #tpu.memory_space<vmem>>
    %dma_start3A_187 = tpu.memref_squeeze %dma_start3A_186 : memref<1x512x32xf32, #tpu.memory_space<vmem>> -> memref<512x32xf32, #tpu.memory_space<vmem>>
    %dma_start3A_188 = arith.constant 0 : i32
    %dma_start3A_189 = tpu.memref_slice %arg4[%add3A_182, %dma_start3A_188] : memref<3276800x32xf32, #tpu.memory_space<hbm>> -> memref<512x32xf32, #tpu.memory_space<hbm>>
    %dma_start3A_190 = arith.constant 0 : i32
    %dma_start3A_191 = tpu.memref_slice %arg4[%add3A_182, %dma_start3A_190] : memref<3276800x32xf32, #tpu.memory_space<hbm>> -> memref<512x32xf32, #tpu.memory_space<hbm>>
    %dma_start3A_192 = arith.constant 0 : i32
    %dma_start3A_193 = arith.constant 0 : i32
    %dma_start3A_194 = tpu.memref_slice %arg6[%dma_start3A_183, %dma_start3A_192, %dma_start3A_193] : memref<4x512x32xf32, #tpu.memory_space<vmem>> -> memref<1x512x32xf32, #tpu.memory_space<vmem>>
    %dma_start3A_195 = tpu.memref_squeeze %dma_start3A_194 : memref<1x512x32xf32, #tpu.memory_space<vmem>> -> memref<512x32xf32, #tpu.memory_space<vmem>>
    tpu.enqueue_dma source(%dma_start3A_195 : memref<512x32xf32, #tpu.memory_space<vmem>>) target(%dma_start3A_191 : memref<512x32xf32, #tpu.memory_space<hbm>>) target_semaphore(%arg16 : memref<!tpu.dma_semaphore, #tpu.memory_space<semaphore_mem>>)
    %dma_wait3A_196 = arith.constant 2 : i32
    %dma_wait3A_197 = arith.constant 2 : i32
    %dma_wait3A_198 = arith.constant 0 : i32
    %dma_wait3A_199 = arith.constant 0 : i32
    %dma_wait3A_200 = tpu.memref_slice %arg6[%dma_wait3A_197, %dma_wait3A_198, %dma_wait3A_199] : memref<4x512x32xf32, #tpu.memory_space<vmem>> -> memref<1x512x32xf32, #tpu.memory_space<vmem>>
    %dma_wait3A_201 = tpu.memref_squeeze %dma_wait3A_200 : memref<1x512x32xf32, #tpu.memory_space<vmem>> -> memref<512x32xf32, #tpu.memory_space<vmem>>
    %dma_wait3A_202 = arith.constant 0 : i32
    %dma_wait3A_203 = tpu.memref_slice %arg5[%dma_wait3A_196, %dma_wait3A_202] : memref<4x512xi32, #tpu.memory_space<vmem>> -> memref<1x512xi32, #tpu.memory_space<vmem>>
    %dma_wait3A_204 = tpu.memref_squeeze %dma_wait3A_203 : memref<1x512xi32, #tpu.memory_space<vmem>> -> memref<512xi32, #tpu.memory_space<vmem>>
    %dma_wait3A_205 = arith.constant 0 : i32
    %dma_wait3A_206 = arith.constant 0 : i32
    %dma_wait3A_207 = tpu.memref_slice %arg2[%dma_wait3A_205, %dma_wait3A_206] : memref<1000000x32xf32, #tpu.memory_space<hbm>> -> memref<1000000x32xf32, #tpu.memory_space<hbm>>
    tpu.wait_indirect_dma semaphore(%arg13 : memref<!tpu.dma_semaphore, #tpu.memory_space<semaphore_mem>>) src(%dma_wait3A_207 : memref<1000000x32xf32, #tpu.memory_space<hbm>>) dst(%dma_wait3A_201 : memref<512x32xf32, #tpu.memory_space<vmem>>)
    %add3A_208 = arith.constant 101376 : i32
    %add3A_209 = arith.addi %mul3A_2, %add3A_208 : i32
    %dma_start3A_210 = arith.constant 2 : i32
    %dma_start3A_211 = arith.constant 0 : i32
    %dma_start3A_212 = arith.constant 0 : i32
    %dma_start3A_213 = tpu.memref_slice %arg6[%dma_start3A_210, %dma_start3A_211, %dma_start3A_212] : memref<4x512x32xf32, #tpu.memory_space<vmem>> -> memref<1x512x32xf32, #tpu.memory_space<vmem>>
    %dma_start3A_214 = tpu.memref_squeeze %dma_start3A_213 : memref<1x512x32xf32, #tpu.memory_space<vmem>> -> memref<512x32xf32, #tpu.memory_space<vmem>>
    %dma_start3A_215 = arith.constant 0 : i32
    %dma_start3A_216 = tpu.memref_slice %arg4[%add3A_209, %dma_start3A_215] : memref<3276800x32xf32, #tpu.memory_space<hbm>> -> memref<512x32xf32, #tpu.memory_space<hbm>>
    %dma_start3A_217 = arith.constant 0 : i32
    %dma_start3A_218 = tpu.memref_slice %arg4[%add3A_209, %dma_start3A_217] : memref<3276800x32xf32, #tpu.memory_space<hbm>> -> memref<512x32xf32, #tpu.memory_space<hbm>>
    %dma_start3A_219 = arith.constant 0 : i32
    %dma_start3A_220 = arith.constant 0 : i32
    %dma_start3A_221 = tpu.memref_slice %arg6[%dma_start3A_210, %dma_start3A_219, %dma_start3A_220] : memref<4x512x32xf32, #tpu.memory_space<vmem>> -> memref<1x512x32xf32, #tpu.memory_space<vmem>>
    %dma_start3A_222 = tpu.memref_squeeze %dma_start3A_221 : memref<1x512x32xf32, #tpu.memory_space<vmem>> -> memref<512x32xf32, #tpu.memory_space<vmem>>
    tpu.enqueue_dma source(%dma_start3A_222 : memref<512x32xf32, #tpu.memory_space<vmem>>) target(%dma_start3A_218 : memref<512x32xf32, #tpu.memory_space<hbm>>) target_semaphore(%arg17 : memref<!tpu.dma_semaphore, #tpu.memory_space<semaphore_mem>>)
    %dma_wait3A_223 = arith.constant 3 : i32
    %dma_wait3A_224 = arith.constant 3 : i32
    %dma_wait3A_225 = arith.constant 0 : i32
    %dma_wait3A_226 = arith.constant 0 : i32
    %dma_wait3A_227 = tpu.memref_slice %arg6[%dma_wait3A_224, %dma_wait3A_225, %dma_wait3A_226] : memref<4x512x32xf32, #tpu.memory_space<vmem>> -> memref<1x512x32xf32, #tpu.memory_space<vmem>>
    %dma_wait3A_228 = tpu.memref_squeeze %dma_wait3A_227 : memref<1x512x32xf32, #tpu.memory_space<vmem>> -> memref<512x32xf32, #tpu.memory_space<vmem>>
    %dma_wait3A_229 = arith.constant 0 : i32
    %dma_wait3A_230 = tpu.memref_slice %arg5[%dma_wait3A_223, %dma_wait3A_229] : memref<4x512xi32, #tpu.memory_space<vmem>> -> memref<1x512xi32, #tpu.memory_space<vmem>>
    %dma_wait3A_231 = tpu.memref_squeeze %dma_wait3A_230 : memref<1x512xi32, #tpu.memory_space<vmem>> -> memref<512xi32, #tpu.memory_space<vmem>>
    %dma_wait3A_232 = arith.constant 0 : i32
    %dma_wait3A_233 = arith.constant 0 : i32
    %dma_wait3A_234 = tpu.memref_slice %arg2[%dma_wait3A_232, %dma_wait3A_233] : memref<1000000x32xf32, #tpu.memory_space<hbm>> -> memref<1000000x32xf32, #tpu.memory_space<hbm>>
    tpu.wait_indirect_dma semaphore(%arg14 : memref<!tpu.dma_semaphore, #tpu.memory_space<semaphore_mem>>) src(%dma_wait3A_234 : memref<1000000x32xf32, #tpu.memory_space<hbm>>) dst(%dma_wait3A_228 : memref<512x32xf32, #tpu.memory_space<vmem>>)
    %add3A_235 = arith.constant 101888 : i32
    %add3A_236 = arith.addi %mul3A_2, %add3A_235 : i32
    %dma_start3A_237 = arith.constant 3 : i32
    %dma_start3A_238 = arith.constant 0 : i32
    %dma_start3A_239 = arith.constant 0 : i32
    %dma_start3A_240 = tpu.memref_slice %arg6[%dma_start3A_237, %dma_start3A_238, %dma_start3A_239] : memref<4x512x32xf32, #tpu.memory_space<vmem>> -> memref<1x512x32xf32, #tpu.memory_space<vmem>>
    %dma_start3A_241 = tpu.memref_squeeze %dma_start3A_240 : memref<1x512x32xf32, #tpu.memory_space<vmem>> -> memref<512x32xf32, #tpu.memory_space<vmem>>
    %dma_start3A_242 = arith.constant 0 : i32
    %dma_start3A_243 = tpu.memref_slice %arg4[%add3A_236, %dma_start3A_242] : memref<3276800x32xf32, #tpu.memory_space<hbm>> -> memref<512x32xf32, #tpu.memory_space<hbm>>
    %dma_start3A_244 = arith.constant 0 : i32
    %dma_start3A_245 = tpu.memref_slice %arg4[%add3A_236, %dma_start3A_244] : memref<3276800x32xf32, #tpu.memory_space<hbm>> -> memref<512x32xf32, #tpu.memory_space<hbm>>
    %dma_start3A_246 = arith.constant 0 : i32
    %dma_start3A_247 = arith.constant 0 : i32
    %dma_start3A_248 = tpu.memref_slice %arg6[%dma_start3A_237, %dma_start3A_246, %dma_start3A_247] : memref<4x512x32xf32, #tpu.memory_space<vmem>> -> memref<1x512x32xf32, #tpu.memory_space<vmem>>
    %dma_start3A_249 = tpu.memref_squeeze %dma_start3A_248 : memref<1x512x32xf32, #tpu.memory_space<vmem>> -> memref<512x32xf32, #tpu.memory_space<vmem>>
    tpu.enqueue_dma source(%dma_start3A_249 : memref<512x32xf32, #tpu.memory_space<vmem>>) target(%dma_start3A_245 : memref<512x32xf32, #tpu.memory_space<hbm>>) target_semaphore(%arg18 : memref<!tpu.dma_semaphore, #tpu.memory_space<semaphore_mem>>)
    %add3A_250 = arith.constant 100352 : i32
    %add3A_251 = arith.addi %mul3A_2, %add3A_250 : i32
    %dma_wait3A_252 = arith.constant 0 : i32
    %dma_wait3A_253 = arith.constant 0 : i32
    %dma_wait3A_254 = arith.constant 0 : i32
    %dma_wait3A_255 = tpu.memref_slice %arg6[%dma_wait3A_252, %dma_wait3A_253, %dma_wait3A_254] : memref<4x512x32xf32, #tpu.memory_space<vmem>> -> memref<1x512x32xf32, #tpu.memory_space<vmem>>
    %dma_wait3A_256 = tpu.memref_squeeze %dma_wait3A_255 : memref<1x512x32xf32, #tpu.memory_space<vmem>> -> memref<512x32xf32, #tpu.memory_space<vmem>>
    %dma_wait3A_257 = arith.constant 0 : i32
    %dma_wait3A_258 = tpu.memref_slice %arg4[%add3A_251, %dma_wait3A_257] : memref<3276800x32xf32, #tpu.memory_space<hbm>> -> memref<512x32xf32, #tpu.memory_space<hbm>>
    %dma_wait3A_259 = arith.constant 0 : i32
    %dma_wait3A_260 = tpu.memref_slice %arg4[%add3A_251, %dma_wait3A_259] : memref<3276800x32xf32, #tpu.memory_space<hbm>> -> memref<512x32xf32, #tpu.memory_space<hbm>>
    %dma_wait3A_261 = arith.constant 0 : i32
    %dma_wait3A_262 = arith.constant 0 : i32
    %dma_wait3A_263 = tpu.memref_slice %arg6[%dma_wait3A_252, %dma_wait3A_261, %dma_wait3A_262] : memref<4x512x32xf32, #tpu.memory_space<vmem>> -> memref<1x512x32xf32, #tpu.memory_space<vmem>>
    %dma_wait3A_264 = tpu.memref_squeeze %dma_wait3A_263 : memref<1x512x32xf32, #tpu.memory_space<vmem>> -> memref<512x32xf32, #tpu.memory_space<vmem>>
    tpu.wait_dma2 semaphore(%arg15 : memref<!tpu.dma_semaphore, #tpu.memory_space<semaphore_mem>>) src(%dma_wait3A_264 : memref<512x32xf32, #tpu.memory_space<vmem>>) dst(%dma_wait3A_260 : memref<512x32xf32, #tpu.memory_space<hbm>>)
    %add3A_265 = arith.constant 100864 : i32
    %add3A_266 = arith.addi %mul3A_2, %add3A_265 : i32
    %dma_wait3A_267 = arith.constant 1 : i32
    %dma_wait3A_268 = arith.constant 0 : i32
    %dma_wait3A_269 = arith.constant 0 : i32
    %dma_wait3A_270 = tpu.memref_slice %arg6[%dma_wait3A_267, %dma_wait3A_268, %dma_wait3A_269] : memref<4x512x32xf32, #tpu.memory_space<vmem>> -> memref<1x512x32xf32, #tpu.memory_space<vmem>>
    %dma_wait3A_271 = tpu.memref_squeeze %dma_wait3A_270 : memref<1x512x32xf32, #tpu.memory_space<vmem>> -> memref<512x32xf32, #tpu.memory_space<vmem>>
    %dma_wait3A_272 = arith.constant 0 : i32
    %dma_wait3A_273 = tpu.memref_slice %arg4[%add3A_266, %dma_wait3A_272] : memref<3276800x32xf32, #tpu.memory_space<hbm>> -> memref<512x32xf32, #tpu.memory_space<hbm>>
    %dma_wait3A_274 = arith.constant 0 : i32
    %dma_wait3A_275 = tpu.memref_slice %arg4[%add3A_266, %dma_wait3A_274] : memref<3276800x32xf32, #tpu.memory_space<hbm>> -> memref<512x32xf32, #tpu.memory_space<hbm>>
    %dma_wait3A_276 = arith.constant 0 : i32
    %dma_wait3A_277 = arith.constant 0 : i32
    %dma_wait3A_278 = tpu.memref_slice %arg6[%dma_wait3A_267, %dma_wait3A_276, %dma_wait3A_277] : memref<4x512x32xf32, #tpu.memory_space<vmem>> -> memref<1x512x32xf32, #tpu.memory_space<vmem>>
    %dma_wait3A_279 = tpu.memref_squeeze %dma_wait3A_278 : memref<1x512x32xf32, #tpu.memory_space<vmem>> -> memref<512x32xf32, #tpu.memory_space<vmem>>
    tpu.wait_dma2 semaphore(%arg16 : memref<!tpu.dma_semaphore, #tpu.memory_space<semaphore_mem>>) src(%dma_wait3A_279 : memref<512x32xf32, #tpu.memory_space<vmem>>) dst(%dma_wait3A_275 : memref<512x32xf32, #tpu.memory_space<hbm>>)
    %add3A_280 = arith.constant 101376 : i32
    %add3A_281 = arith.addi %mul3A_2, %add3A_280 : i32
    %dma_wait3A_282 = arith.constant 2 : i32
    %dma_wait3A_283 = arith.constant 0 : i32
    %dma_wait3A_284 = arith.constant 0 : i32
    %dma_wait3A_285 = tpu.memref_slice %arg6[%dma_wait3A_282, %dma_wait3A_283, %dma_wait3A_284] : memref<4x512x32xf32, #tpu.memory_space<vmem>> -> memref<1x512x32xf32, #tpu.memory_space<vmem>>
    %dma_wait3A_286 = tpu.memref_squeeze %dma_wait3A_285 : memref<1x512x32xf32, #tpu.memory_space<vmem>> -> memref<512x32xf32, #tpu.memory_space<vmem>>
    %dma_wait3A_287 = arith.constant 0 : i32
    %dma_wait3A_288 = tpu.memref_slice %arg4[%add3A_281, %dma_wait3A_287] : memref<3276800x32xf32, #tpu.memory_space<hbm>> -> memref<512x32xf32, #tpu.memory_space<hbm>>
    %dma_wait3A_289 = arith.constant 0 : i32
    %dma_wait3A_290 = tpu.memref_slice %arg4[%add3A_281, %dma_wait3A_289] : memref<3276800x32xf32, #tpu.memory_space<hbm>> -> memref<512x32xf32, #tpu.memory_space<hbm>>
    %dma_wait3A_291 = arith.constant 0 : i32
    %dma_wait3A_292 = arith.constant 0 : i32
    %dma_wait3A_293 = tpu.memref_slice %arg6[%dma_wait3A_282, %dma_wait3A_291, %dma_wait3A_292] : memref<4x512x32xf32, #tpu.memory_space<vmem>> -> memref<1x512x32xf32, #tpu.memory_space<vmem>>
    %dma_wait3A_294 = tpu.memref_squeeze %dma_wait3A_293 : memref<1x512x32xf32, #tpu.memory_space<vmem>> -> memref<512x32xf32, #tpu.memory_space<vmem>>
    tpu.wait_dma2 semaphore(%arg17 : memref<!tpu.dma_semaphore, #tpu.memory_space<semaphore_mem>>) src(%dma_wait3A_294 : memref<512x32xf32, #tpu.memory_space<vmem>>) dst(%dma_wait3A_290 : memref<512x32xf32, #tpu.memory_space<hbm>>)
    %add3A_295 = arith.constant 101888 : i32
    %add3A_296 = arith.addi %mul3A_2, %add3A_295 : i32
    %dma_wait3A_297 = arith.constant 3 : i32
    %dma_wait3A_298 = arith.constant 0 : i32
    %dma_wait3A_299 = arith.constant 0 : i32
    %dma_wait3A_300 = tpu.memref_slice %arg6[%dma_wait3A_297, %dma_wait3A_298, %dma_wait3A_299] : memref<4x512x32xf32, #tpu.memory_space<vmem>> -> memref<1x512x32xf32, #tpu.memory_space<vmem>>
    %dma_wait3A_301 = tpu.memref_squeeze %dma_wait3A_300 : memref<1x512x32xf32, #tpu.memory_space<vmem>> -> memref<512x32xf32, #tpu.memory_space<vmem>>
    %dma_wait3A_302 = arith.constant 0 : i32
    %dma_wait3A_303 = tpu.memref_slice %arg4[%add3A_296, %dma_wait3A_302] : memref<3276800x32xf32, #tpu.memory_space<hbm>> -> memref<512x32xf32, #tpu.memory_space<hbm>>
    %dma_wait3A_304 = arith.constant 0 : i32
    %dma_wait3A_305 = tpu.memref_slice %arg4[%add3A_296, %dma_wait3A_304] : memref<3276800x32xf32, #tpu.memory_space<hbm>> -> memref<512x32xf32, #tpu.memory_space<hbm>>
    %dma_wait3A_306 = arith.constant 0 : i32
    %dma_wait3A_307 = arith.constant 0 : i32
    %dma_wait3A_308 = tpu.memref_slice %arg6[%dma_wait3A_297, %dma_wait3A_306, %dma_wait3A_307] : memref<4x512x32xf32, #tpu.memory_space<vmem>> -> memref<1x512x32xf32, #tpu.memory_space<vmem>>
    %dma_wait3A_309 = tpu.memref_squeeze %dma_wait3A_308 : memref<1x512x32xf32, #tpu.memory_space<vmem>> -> memref<512x32xf32, #tpu.memory_space<vmem>>
    tpu.wait_dma2 semaphore(%arg18 : memref<!tpu.dma_semaphore, #tpu.memory_space<semaphore_mem>>) src(%dma_wait3A_309 : memref<512x32xf32, #tpu.memory_space<vmem>>) dst(%dma_wait3A_305 : memref<512x32xf32, #tpu.memory_space<hbm>>)
    return
  }
}

</mosaic_0001>

<sc_bundles>
// kernel: kernel.3.cloned.1.call-start
scs
__scs_entry_jumppad:
0x0: {  	(pc) =	sbr.rel $0x88, $3  }
0x1: {  	(tag) =	ssettag $0x0;
	lr =	simm.s32 $0x1  }
0x2: {  	[smem:$0x3F9F] =	sst lr;
	_ =	strace $0xD0000000  }
0x3: {  	_ = 	snop  }
0x4: {  	_ = 	snop  }
0x5: {  	_ = 	snop  }
0x6: {  	_ = 	snop  }
0x7: {  	_ = 	snop  }
__scs_overlays_trampoline_lowered:
0x8: {  	[smem:$0x3FAE] =	sst s0  }
0x9: {  	[smem:$0x3FAF] =	sst s1  }
0xa: {  	[smem:$0x3FB0] =	sst s2  }
0xb: {  	[smem:$0x3FB1] =	sst s3  }
0xc: {  	[smem:$0x3FB2] =	sst s4  }
0xd: {  	[smem:$0x3FB3] =	sst s5  }
0xe: {  	[smem:$0x3FB4] =	sst s6  }
0xf: {  	[smem:$0x3FB5] =	sst s7  }
0x10: {  	[smem:$0x3FB6] =	sst s8  }
0x11: {  	[smem:$0x3FB7] =	sst s9;
	s0 =	simm.s32 @!p0 $0x0  }
0x12: {  	s1 =	sld [smem:$0x3F9D];
	s0 =	simm.s32 @p0 $0x1  }
0x13: {  	[smem:$0x3FB8] =	sst s0;
	s0 =	simm.s32 @!p1 $0x0  }
0x14: {  	s2 =	sld [smem:$0x3F9C];
	s0 =	simm.s32 @p1 $0x1  }
0x15: {  	[smem:$0x3FB9] =	sst s0;
	s0 =	simm.s32 @!p2 $0x0  }
0x16: {  	s3 =	sld [smem:$0x3FDB];
	s0 =	simm.s32 @p2 $0x1  }
0x17: {  	s4 =	simm.s32 $0x1BF5;
	[smem:$0x3FBB] =	sst s0  }
0x18: {  	s0 =	sld [smem:$0x3F9E];
	_ =	swait.ge [sflag:s4], $0x0  }
0x19: {  	s7 =	sld [smem:$0x3F9F]  }
0x1a: {  	s8 =	sadd.s32 $0xFFFFE003, lr  }
0x1b: {  	s9 =	sadd.s32 $0xFFFFFEF7, lr;
	s5 =	simm.s32 $0xFFFFFFFF;
	p2 =	slt.u32 s8, $0xFFFFF086  }
0x1c: {  	p1 =	slt.u32 s9, $0xF7A;
	s5 =	simm.s32 @!p2 $0x0  }
0x1d: {  	s5 =	simm.s32 @p1 $0x1;
	p0 =	seq.s32 s7, s2  }
0x1e: {  	s7 =	smul.u32 @!p0 $0xF7A, s2;
	p2 =	seq.s32 @!p0 s5, $0x0  }
0x1f: {  	s9 =	smul.u32 $0xF7A, s1;
	s8 =	simm.s32 @!p0 $0x1BF5;
	p2 =	por !p2, p0  }
0x20: {  	[sflag:s8] =	ssyncset.s32 @!p0 $0xFFFFF086;
	s6 =	sadd.s32 @!p0 s3, s7;
	s7 =	simm.s32 @!p0 $0x108  }
0x21: {  	s3 =	sadd.s32 s3, s9;
	s6 =	sadd.s32 @!p0 $0x88, s6;
	s7 =	simm.s32 @p2 $0x1082  }
0x22: {  	[simem:s7], [sflag:s8] =	dma.local @!p0 [hbm:s6], $0xF7A  }
0x23: {  	s9 =	sor.u32 $0xD0000000, s2;
	s6 =	simm.s32 $0x108;
	_ =	swait.ge @!p0 [sflag:s8], $0x0  }
0x24: {  	s3 =	sadd.s32 $0x88, s3;
	s6 =	simm.s32 @!p1 $0x1082;
	[sflag:s4] =	ssyncset.s32 $0xFFFFF086  }
0x25: {  	[simem:s6], [sflag:s4] =	dma.local [hbm:s3], $0xF7A  }
0x26: {  	[smem:$0x3F9F] =	sst s1;
	(tag) =	ssettag s2;
	_ =	strace s9  }
0x27: {  	s1 =	sld [smem:$0x3FAF]  }
0x28: {  	s2 =	sld [smem:$0x3FB0]  }
0x29: {  	s4 =	sld [smem:$0x3FB2]  }
0x2a: {  	p0 =	seq.s32 s5, $0x0;
	s5 =	sld [smem:$0x3FB3]  }
0x2b: {  	s6 =	sld [smem:$0x3FB4]  }
0x2c: {  	s7 =	sld [smem:$0x3FB5]  }
0x2d: {  	s3 =	simm.s32 $0x108;
	s8 =	sld [smem:$0x3FB6]  }
0x2e: {  	s3 =	simm.s32 @!p0 $0x1082;
	s9 =	sld [smem:$0x3FB7]  }
0x2f: {  	lr =	sadd.s32 s0, s3;
	s0 =	sld [smem:$0x3FAE]  }
0x30: {  	s3 =	sld [smem:$0x3FB1]  }
0x31: {  	[smem:$0x3FBA] =	sst s10  }
0x32: {  	s10 =	sld [smem:$0x3FB8];
	_ =	sdelay $0x3  }
0x33: {  	p0 =	seq.s32 s10, $0x1;
	s10 =	sld [smem:$0x3FBA];
	_ =	sdelay $0x3  }
0x34: {  	[smem:$0x3FBA] =	sst s10  }
0x35: {  	s10 =	sld [smem:$0x3FB9];
	_ =	sdelay $0x3  }
0x36: {  	p1 =	seq.s32 s10, $0x1;
	s10 =	sld [smem:$0x3FBA];
	_ =	sdelay $0x3  }
0x37: {  	[smem:$0x3FBA] =	sst s10  }
0x38: {  	s10 =	sld [smem:$0x3FBB]  }
0x39: {  	_ = 	snop;
	(pc) =	sbr.ind lr, $3  }
0x3a: {  	_ = 	snop  }
0x3b: {  	_ = 	snop  }
0x3c: {  	p2 =	seq.s32 s10, $0x1;
	s10 =	sld [smem:$0x3FBA]  }
0x3d: {  	_ =	shalt  }
0x3e: {  	_ =	shalt  }
0x3f: {  	_ =	shalt  }
0x40: {  	_ =	shalt  }
0x41: {  	_ =	shalt  }
0x42: {  	_ =	shalt  }
0x43: {  	_ =	shalt  }
0x44: {  	_ =	shalt  }
0x45: {  	_ =	shalt  }
0x46: {  	_ =	shalt  }
0x47: {  	_ =	shalt  }
0x48: {  	_ =	shalt  }
0x49: {  	_ =	shalt  }
0x4a: {  	_ =	shalt  }
0x4b: {  	_ =	shalt  }
0x4c: {  	_ =	shalt  }
0x4d: {  	_ =	shalt  }
0x4e: {  	_ =	shalt  }
0x4f: {  	_ =	shalt  }
0x50: {  	_ =	shalt  }
0x51: {  	_ =	shalt  }
0x52: {  	_ =	shalt  }
0x53: {  	_ =	shalt  }
0x54: {  	_ =	shalt  }
0x55: {  	_ =	shalt  }
0x56: {  	_ =	shalt  }
0x57: {  	_ =	shalt  }
0x58: {  	_ =	shalt  }
0x59: {  	_ =	shalt  }
0x5a: {  	_ =	shalt  }
0x5b: {  	_ =	shalt  }
0x5c: {  	_ =	shalt  }
0x5d: {  	_ =	shalt  }
0x5e: {  	_ =	shalt  }
0x5f: {  	_ =	shalt  }
0x60: {  	_ =	shalt  }
0x61: {  	_ =	shalt  }
0x62: {  	_ =	shalt  }
0x63: {  	_ =	shalt  }
0x64: {  	_ =	shalt  }
0x65: {  	_ =	shalt  }
0x66: {  	_ =	shalt  }
0x67: {  	_ =	shalt  }
0x68: {  	_ =	shalt  }
0x69: {  	_ =	shalt  }
0x6a: {  	_ =	shalt  }
0x6b: {  	_ =	shalt  }
0x6c: {  	_ =	shalt  }
0x6d: {  	_ =	shalt  }
0x6e: {  	_ =	shalt  }
0x6f: {  	_ =	shalt  }
0x70: {  	_ =	shalt  }
0x71: {  	_ =	shalt  }
0x72: {  	_ =	shalt  }
0x73: {  	_ =	shalt  }
0x74: {  	_ =	shalt  }
0x75: {  	_ =	shalt  }
0x76: {  	_ =	shalt  }
0x77: {  	_ =	shalt  }
0x78: {  	_ =	shalt  }
0x79: {  	_ =	shalt  }
0x7a: {  	_ =	shalt  }
0x7b: {  	_ =	shalt  }
0x7c: {  	_ =	shalt  }
0x7d: {  	_ =	shalt  }
0x7e: {  	_ =	shalt  }
0x7f: {  	_ =	shalt  }
0x80: {  	_ =	shalt  }
0x81: {  	_ =	shalt  }
0x82: {  	_ =	shalt  }
0x83: {  	_ =	shalt  }
0x84: {  	_ =	shalt  }
0x85: {  	_ =	shalt  }
0x86: {  	_ =	shalt  }
0x87: {  	_ =	shalt  }
.Lfunc_end0:
.L_simem_size_0:
called_computation.1_lowered:
.L_overlay_start_0:
0x88: {  	s2 =	sld [smem:$0x3FD9]  }
0x89: {  	s3 =	sld [smem:$0x3FFE];
	_ =	sdelay $0x1  }
0x8a: {  	s1 =	srdreg.scid  }
0x8b: {  	s0 =	sand.u32 $0x1, s1  }
0x8c: {  	s17 =	sshll.u32 s0, $0xA;
	s2 =	sadd.s32 s3, s2  }
0x8d: {  	s2 =	sadd.s32 s2, s17  }
0x8e: {  	[smem:$0x3FC6] =	sst s2  }
0x8f: {  	_ = 	snop  }
0x90: {  	s2 =	sld [smem:$0x3FD0];
	(tm) =	ssettm $0x1  }
0x91: {  	s18 =	sld [smem:$0x3FFB];
	_ =	sdelay $0x3  }
0x92: {  	_ =	strace s18  }
0x93: {  	s3 =	sld [smem:$0x3FFC];
	_ =	sdelay $0x3  }
0x94: {  	_ =	strace s3  }
0x95: {  	s3 =	sld [smem:$0x3FFD];
	_ =	sdelay $0x3  }
0x96: {  	_ =	strace s3  }
0x97: {  	_ =	strace $0x8FFFFFFF  }
0x98: {  	s19 =	sld [smem:$0x3FDB];
	_ =	sdelay $0x1  }
0x99: {  	s4 =	simm.s32 $_scs_section_size  }
0x9a: {  	s5 =	simm.s32 $_size__tile_overlayer_lowered;
	s6 =	simm.s32 $_tile_overlayer_lowered  }
0x9b: {  	s22 =	simm.s32 $0x1BFF;
	s21 =	sshll.u32 s6, $0x1;
	s3 =	sadd.s32 s4, s19  }
0x9c: {  	s7 =	simm.s32 $0x0;
	s20 =	sshll.u32 s5, $0x1;
	s5 =	sadd.s32 s21, s3  }
0x9d: {  	[timem:s7], [sflag:s22] =	dma.local [hbm:s5], s20  }
0x9e: {  	_ =	swait.ge [sflag:s22], s20  }
0x9f: {  	s4 =	ssub.s32 $0x0, s20;
	[sflag:s22] =	ssyncset.done $0x0  }
0xa0: {  	[sflag:s22] =	ssyncadd.s32 s4;
	_ =	sdelay $0x1  }
0xa1: {  	s23 =	simm.s32 $0x1B8B  }
0xa2: {  	_ =	swait.ge [sflag:s23], $0x1  }
0xa3: {  	[sflag:s23] =	ssyncset.done $0x0  }
0xa4: {  	s25 =	simm.s32 $0x1B8E;
	s24 =	sld [smem:$0x3FFE];
	[sflag:s23] =	ssyncadd.s32 $0xFFFFFFFF  }
0xa5: {  	s26 =	simm.s32 $execute0_lowered;
	[smem:$0x3FD2] =	sst s25  }
0xa6: {  	s5 =	sshll.u32 s26, $0x1;
	_ =	strace $0x80000046;
	[dreg:$0x1] =	wrdreg $0xFFFFFFFF  }
0xa7: {  	s28 =	simm.s32 $_size_execute0_lowered;
	s3 =	sadd.s32 s3, s5;
	[dreg:$0x0] =	wrdreg $0x0  }
0xa8: {  	s5 =	sshll.u32 s28, $0x1;
	[dreg:$0x2] =	wrdreg s3  }
0xa9: {  	[dreg:$0x3] =	wrdreg s5  }
0xaa: {  	[dreg:$0x4] =	wrdreg $0xC0  }
0xab: {  	_ =	task [dreg:s7], $0x5FFFF  }
0xac: {  	[dreg:$0x1] =	wrdreg $0xFFFFFFFF  }
0xad: {  	[dreg:$0x0] =	wrdreg $0x60  }
0xae: {  	[dreg:$0x2] =	wrdreg s24  }
0xaf: {  	[dreg:$0x3] =	wrdreg s2  }
0xb0: {  	[dreg:$0x4] =	wrdreg $0x9  }
0xb1: {  	_ =	task.clear_ibuf [dreg:s7], $0x5FFFF;
	_ =	strace $0x90000046  }
0xb2: {  	s29 =	simm.s32 $0x9;
	_ =	strace $0x80000048  }
0xb3: {  	_ =	swait.ge [sflag:s29], $0x1  }
0xb4: {  	[sflag:s29] =	ssyncadd.s32 $0xFFFFFFFF  }
0xb5: {  	_ =	strace $0x90000048  }
0xb6: {  	_ =	sfence  }
0xb7: {  	s30 =	sld [smem:$0x0];
	_ =	sdelay $0x2  }
0xb8: {  	s31 =	sshll.u32 s1, $0xD;
	s1 =	sshrl.u32 s1, $0x2  }
0xb9: {  	s3 =	sand.u32 $0x4000, s31;
	s1 =	sadd.s32 s1, s30  }
0xba: {  	s0 =	sor.u32 s3, s0;
	s1 =	sshll.u32 s1, $0x11  }
0xbb: {  	s0 =	sor.u32 s1, s0  }
0xbc: {  	s0 =	sadd.s32 $0x8F2B, s0  }
0xbd: {  	[sflag:s0] =	ssyncadd.remote.s32 $0x1  }
0xbe: {  	_ =	sfence.sel $0xFFFF  }
0xbf: {  	[dreg:$0x0] =	wrdreg $0xFFFFFFFF;
	(pc) =	sbr.abs _section_cstart, $3  }
0xc0: {  	[dreg:$0x1] =	wrdreg $0xFFFFFFFF  }
0xc1: {  	_ =	task.clear_ibuf [dreg:s7], $0x2FFFF;
	_ =	strace $0x9FFFFFFF  }
0xc2: {  	(tm) =	ssettm $0x7FFFFFFF  }
0xc3: {  	_ =	shalt  }
tec
execute0_lowered:
.L_overlay_start_1:
0x0: {  	(tag) =	ssettag $0x1  }
0x1: {  	s0 =	rddreg [dreg:$0x0];
	s1 =	srdreg.scid  }
0x2: {  	s9 =	stileid.u32;
	s4 =	rddreg [dreg:$0x1];
	s2 =	simm.s32 $0x0  }
0x3: {  	s28 =	simm.s32 $0xC800;
	s29 =	simm.s32 $0x5;
	s30 =	simm.s32 $0x6  }
0x4: {  	s31 =	simm.s32 $0x7;
	s1 =	sand.u32 $0x1, s1;
	s11 =	smul.u32 $0xC8000, s9  }
0x5: {  	s3 =	sshll.u32 s9, $0x1;
	[smem:$0x7FF] =	sst s2;
	s13 =	smul.u32 $0x32000, s9  }
0x6: {  	s5 =	sor.u32 s1, s3;
	_ =	strace $0x80000047;
	s15 =	smul.u32 $0x19000, s1  }
0x7: {  	s3 =	sadd.s32 $0xFA6C00, s0;
	s7 =	ssub.s32 $0x2, s1;
	s6 =	smul.u32 $0x19000, s5  }
0x8: {  	s0 =	sadd.s32 $0x800, s0;
	s8 =	sshrl.u32 s7, $0x1;
	s5 =	smul.u32 $0x320000, s5  }
0x9: {  	s1 =	smul.u32 $0x64000, s1;
	s26 =	ssub.s32 s7, s8;
	s19 =	sadd.s32 s15, s13  }
0xa: {  	s7 =	simm.s32 $0xC;
	s6 =	sshrl.u32 s6, $0x3;
	s5 =	sshrl.u32 s5, $0x3  }
0xb: {  	s20 =	sor.u32 $0xC00, s19;
	s21 =	smax.u32 s26, $0x1;
	s23 =	sor.u32 $0xA00, s19  }
0xc: {  	s24 =	sor.u32 $0x800, s19;
	s25 =	sor.u32 $0xE00, s19;
	s19 =	simm.s32 $0x600  }
0xd: {  	s10 =	sadd.s32 s0, s6;
	s5 =	sadd.s32 s4, s5;
	[dreg:$0xc] =	wrdreg s21  }
0xe: {  	s4 =	sadd.s32 s11, s4;
	s8 =	sadd.s32 $0x40, s10;
	[dreg:$0x4] =	wrdreg s10  }
0xf: {  	s22 =	sshrl.u32 s20, $0x3;
	s12 =	sadd.s32 $0x80, s10;
	[dreg:$0x5] =	wrdreg s8  }
0x10: {  	s26 =	sshrl.u32 s25, $0x3;
	s14 =	sadd.s32 $0xC0, s10;
	[dreg:$0x6] =	wrdreg s12  }
0x11: {  	s20 =	simm.s32 $0x1;
	s16 =	sadd.s32 $0x62000, s5;
	[dreg:$0x7] =	wrdreg s14  }
0x12: {  	s21 =	simm.s32 $0x800;
	s17 =	sadd.s32 $0x62800, s5;
	[dreg:$0x8] =	wrdreg s16  }
0x13: {  	s25 =	simm.s32 $0x8800;
	s18 =	sadd.s32 $0x63000, s5;
	[dreg:$0x9] =	wrdreg s17  }
0x14: {  	s6 =	simm.s32 $0xB;
	s5 =	sadd.s32 $0x63800, s5;
	[dreg:$0xa] =	wrdreg s18  }
0x15: {  	s1 =	sadd.s32 s1, s4;
	s4 =	sshrl.u32 s24, $0x3;
	[dreg:$0xb] =	wrdreg s5  }
0x16: {  	s24 =	simm.s32 $0x3;
	[dreg:$0x3] =	wrdreg s1;
	s1 =	sadd.s32 s22, s0  }
0x17: {  	s15 =	sadd.s32 s4, s0;
	s16 =	sadd.s32 s26, s0;
	s17 =	simm.s32 $0x200  }
0x18: {  	s18 =	simm.s32 $0x400;
	s22 =	simm.s32 $0x2;
	s26 =	simm.s32 $0x4  }
0x19: {  	s5 =	simm.s32 $0xA;
	[dreg:$0xd] =	wrdreg s1;
	s1 =	sshrl.u32 s23, $0x3  }
0x1a: {  	s8 =	simm.s32 $0x0;
	s23 =	simm.s32 $0x4800;
	s1 =	sadd.s32 s1, s0  }
0x1b: {  	s0 =	simm.s32 $0x9;
	[dreg:$0xe] =	wrdreg s1;
	s1 =	simm.s32 $0x8  }
.LBB2_1:
0x1c: {  	s4 =	rddreg [dreg:$0x4]  }
0x1d: {  	[tilespmem:s2], [sflag:$0x1] =	stream.linear.gather [hbm4b:s4+s2], $0x200, $0x38;
	[tilespmem:$0x10800] =	vst v63  }
0x1e: {  	s10 =	rddreg [dreg:$0x5]  }
0x1f: {  	[tilespmem:s17], [sflag:$0x2] =	stream.linear.gather [hbm4b:s10+s2], $0x200, $0x38;
	[tilespmem:$0x10800] =	vst v63  }
0x20: {  	s11 =	rddreg [dreg:$0x6]  }
0x21: {  	[tilespmem:s18], [sflag:$0x3] =	stream.linear.gather [hbm4b:s11+s2], $0x200, $0x38;
	[tilespmem:$0x10800] =	vst v63  }
0x22: {  	s12 =	rddreg [dreg:$0x7]  }
0x23: {  	[tilespmem:s19], [sflag:$0x4] =	stream.linear.gather [hbm4b:s12+s2], $0x200, $0x38;
	[tilespmem:$0x10800] =	vst v63  }
0x24: {  	_ =	swait.ge [sflag:s20], $0x200  }
0x25: {  	[sflag:s20] =	ssyncset.done $0x0  }
0x26: {  	[sflag:s20] =	ssyncadd.s32 $0xFFFFFE00  }
0x27: {  	[tilespmem:s21], [sflag:$0x5] =	stream.indirect.gather [hbm4b:s3+s17], $0x20, s2, s17, $0xb8;
	[tilespmem:$0x10800] =	vst v63  }
0x28: {  	_ =	swait.ge [sflag:s22], $0x200  }
0x29: {  	[sflag:s22] =	ssyncset.done $0x0  }
0x2a: {  	[sflag:s22] =	ssyncadd.s32 $0xFFFFFE00  }
0x2b: {  	[tilespmem:s23], [sflag:$0x6] =	stream.indirect.gather [hbm4b:s3+s17], $0x20, s17, s17, $0xb8;
	[tilespmem:$0x10800] =	vst v63  }
0x2c: {  	_ =	swait.ge [sflag:s24], $0x200  }
0x2d: {  	[sflag:s24] =	ssyncset.done $0x0  }
0x2e: {  	[sflag:s24] =	ssyncadd.s32 $0xFFFFFE00  }
0x2f: {  	[tilespmem:s25], [sflag:$0x7] =	stream.indirect.gather [hbm4b:s3+s17], $0x20, s18, s17, $0xb8;
	[tilespmem:$0x10800] =	vst v63  }
0x30: {  	_ =	swait.ge [sflag:s26], $0x200  }
0x31: {  	[sflag:s26] =	ssyncset.done $0x0  }
0x32: {  	[sflag:s26] =	ssyncadd.s32 $0xFFFFFE00  }
0x33: {  	[tilespmem:s28], [sflag:$0x8] =	stream.indirect.gather [hbm4b:s3+s17], $0x20, s19, s17, $0xb8;
	[tilespmem:$0x10800] =	vst v63  }
0x34: {  	_ =	swait.ge [sflag:s29], $0x4000  }
0x35: {  	s13 =	rddreg [dreg:$0x3];
	[sflag:s29] =	ssyncset.done $0x0  }
0x36: {  	[sflag:s29] =	ssyncadd.s32 $0xFFFFC000;
	s4 =	sadd.s32 $0x0, s13  }
0x37: {  	[hbm4b:s4+s2] =	stream.linear.scatter [tilespmem:s21], [sflag:$0x9], $0x4000, $0x38;
	[tilespmem:$0x10800] =	vst v63  }
0x38: {  	_ = 	snop  }
0x39: {  	[tilespmem:s2], [sflag:$0x1] =	stream.linear.gather [hbm4b:s15+s2], $0x200, $0x38;
	[tilespmem:$0x10800] =	vst v63  }
0x3a: {  	_ =	swait.ge [sflag:s30], $0x4000  }
0x3b: {  	[sflag:s30] =	ssyncset.done $0x0  }
0x3c: {  	s9 =	sadd.s32 $0x800, s4;
	[sflag:s30] =	ssyncadd.s32 $0xFFFFC000  }
0x3d: {  	[hbm4b:s9+s2] =	stream.linear.scatter [tilespmem:s23], [sflag:$0xA], $0x4000, $0x38;
	[tilespmem:$0x10800] =	vst v63  }
0x3e: {  	s13 =	rddreg [dreg:$0xe]  }
0x3f: {  	[tilespmem:s17], [sflag:$0x2] =	stream.linear.gather [hbm4b:s13+s2], $0x200, $0x38;
	[tilespmem:$0x10800] =	vst v63  }
0x40: {  	_ =	swait.ge [sflag:s31], $0x4000  }
0x41: {  	[sflag:s31] =	ssyncset.done $0x0  }
0x42: {  	s14 =	sadd.s32 $0x1000, s4;
	[sflag:s31] =	ssyncadd.s32 $0xFFFFC000  }
0x43: {  	[hbm4b:s14+s2] =	stream.linear.scatter [tilespmem:s25], [sflag:$0xB], $0x4000, $0x38;
	[tilespmem:$0x10800] =	vst v63  }
0x44: {  	s12 =	rddreg [dreg:$0xd]  }
0x45: {  	[tilespmem:s18], [sflag:$0x3] =	stream.linear.gather [hbm4b:s12+s2], $0x200, $0x38;
	[tilespmem:$0x10800] =	vst v63  }
0x46: {  	_ =	swait.ge [sflag:s1], $0x4000  }
0x47: {  	[sflag:s1] =	ssyncset.done $0x0  }
0x48: {  	s4 =	sadd.s32 $0x1800, s4;
	[sflag:s1] =	ssyncadd.s32 $0xFFFFC000  }
0x49: {  	[hbm4b:s4+s2] =	stream.linear.scatter [tilespmem:s28], [sflag:$0xC], $0x4000, $0x38;
	[tilespmem:$0x10800] =	vst v63  }
0x4a: {  	_ = 	snop  }
0x4b: {  	[tilespmem:s19], [sflag:$0x4] =	stream.linear.gather [hbm4b:s16+s2], $0x200, $0x38;
	[tilespmem:$0x10800] =	vst v63  }
0x4c: {  	_ =	swait.ge [sflag:s0], $0x4000  }
0x4d: {  	[sflag:s0] =	ssyncset.done $0x0  }
0x4e: {  	[sflag:s0] =	ssyncadd.s32 $0xFFFFC000  }
0x4f: {  	_ =	swait.ge [sflag:s20], $0x200  }
0x50: {  	[sflag:s20] =	ssyncset.done $0x0  }
0x51: {  	[sflag:s20] =	ssyncadd.s32 $0xFFFFFE00  }
0x52: {  	[tilespmem:s21], [sflag:$0x5] =	stream.indirect.gather [hbm4b:s3+s17], $0x20, s2, s17, $0xb8;
	[tilespmem:$0x10800] =	vst v63  }
0x53: {  	_ =	swait.ge [sflag:s5], $0x4000  }
0x54: {  	[sflag:s5] =	ssyncset.done $0x0  }
0x55: {  	[sflag:s5] =	ssyncadd.s32 $0xFFFFC000  }
0x56: {  	_ =	swait.ge [sflag:s22], $0x200  }
0x57: {  	[sflag:s22] =	ssyncset.done $0x0  }
0x58: {  	[sflag:s22] =	ssyncadd.s32 $0xFFFFFE00  }
0x59: {  	[tilespmem:s23], [sflag:$0x6] =	stream.indirect.gather [hbm4b:s3+s17], $0x20, s17, s17, $0xb8;
	[tilespmem:$0x10800] =	vst v63  }
0x5a: {  	_ =	swait.ge [sflag:s6], $0x4000  }
0x5b: {  	[sflag:s6] =	ssyncset.done $0x0  }
0x5c: {  	[sflag:s6] =	ssyncadd.s32 $0xFFFFC000  }
0x5d: {  	_ =	swait.ge [sflag:s24], $0x200  }
0x5e: {  	[sflag:s24] =	ssyncset.done $0x0  }
0x5f: {  	[sflag:s24] =	ssyncadd.s32 $0xFFFFFE00  }
0x60: {  	[tilespmem:s25], [sflag:$0x7] =	stream.indirect.gather [hbm4b:s3+s17], $0x20, s18, s17, $0xb8;
	[tilespmem:$0x10800] =	vst v63  }
0x61: {  	_ =	swait.ge [sflag:s7], $0x4000  }
0x62: {  	[sflag:s7] =	ssyncset.done $0x0  }
0x63: {  	[sflag:s7] =	ssyncadd.s32 $0xFFFFC000  }
0x64: {  	s10 =	sadd.s32 $0x100, s15;
	_ =	swait.ge [sflag:s26], $0x200  }
0x65: {  	s11 =	sadd.s32 $0x100, s16;
	s9 =	simm.s32 $0x2000;
	[sflag:s26] =	ssyncset.done $0x0  }
0x66: {  	s12 =	sadd.s32 $0x100, s12;
	s4 =	sadd.s32 $0x100, s13;
	[sflag:s26] =	ssyncadd.s32 $0xFFFFFE00  }
.LBB2_2:
0x67: {  	[tilespmem:s28], [sflag:$0x8] =	stream.indirect.gather [hbm4b:s3+s17], $0x20, s19, s17, $0xb8;
	[tilespmem:$0x10800] =	vst v63  }
0x68: {  	_ =	swait.ge [sflag:s29], $0x4000  }
0x69: {  	s13 =	smov.u32 s9;
	s14 =	rddreg [dreg:$0x3];
	[sflag:s29] =	ssyncset.done $0x0  }
0x6a: {  	[sflag:s29] =	ssyncadd.s32 $0xFFFFC000;
	s13 =	sadd.s32 s13, s14  }
0x6b: {  	[hbm4b:s13+s2] =	stream.linear.scatter [tilespmem:s21], [sflag:$0x9], $0x4000, $0x38;
	[tilespmem:$0x10800] =	vst v63  }
0x6c: {  	_ = 	snop  }
0x6d: {  	[tilespmem:s2], [sflag:$0x1] =	stream.linear.gather [hbm4b:s10+s2], $0x200, $0x38;
	[tilespmem:$0x10800] =	vst v63  }
0x6e: {  	_ =	swait.ge [sflag:s30], $0x4000  }
0x6f: {  	[sflag:s30] =	ssyncset.done $0x0  }
0x70: {  	s14 =	sadd.s32 $0x800, s13;
	[sflag:s30] =	ssyncadd.s32 $0xFFFFC000  }
0x71: {  	[hbm4b:s14+s2] =	stream.linear.scatter [tilespmem:s23], [sflag:$0xA], $0x4000, $0x38;
	[tilespmem:$0x10800] =	vst v63  }
0x72: {  	_ = 	snop  }
0x73: {  	[tilespmem:s17], [sflag:$0x2] =	stream.linear.gather [hbm4b:s4+s2], $0x200, $0x38;
	[tilespmem:$0x10800] =	vst v63  }
0x74: {  	_ =	swait.ge [sflag:s31], $0x4000  }
0x75: {  	[sflag:s31] =	ssyncset.done $0x0  }
0x76: {  	s14 =	sadd.s32 $0x1000, s13;
	[sflag:s31] =	ssyncadd.s32 $0xFFFFC000  }
0x77: {  	[hbm4b:s14+s2] =	stream.linear.scatter [tilespmem:s25], [sflag:$0xB], $0x4000, $0x38;
	[tilespmem:$0x10800] =	vst v63  }
0x78: {  	_ = 	snop  }
0x79: {  	[tilespmem:s18], [sflag:$0x3] =	stream.linear.gather [hbm4b:s12+s2], $0x200, $0x38;
	[tilespmem:$0x10800] =	vst v63  }
0x7a: {  	_ =	swait.ge [sflag:s1], $0x4000  }
0x7b: {  	[sflag:s1] =	ssyncset.done $0x0  }
0x7c: {  	s13 =	sadd.s32 $0x1800, s13;
	[sflag:s1] =	ssyncadd.s32 $0xFFFFC000  }
0x7d: {  	[hbm4b:s13+s2] =	stream.linear.scatter [tilespmem:s28], [sflag:$0xC], $0x4000, $0x38;
	[tilespmem:$0x10800] =	vst v63  }
0x7e: {  	_ = 	snop  }
0x7f: {  	[tilespmem:s19], [sflag:$0x4] =	stream.linear.gather [hbm4b:s11+s2], $0x200, $0x38;
	[tilespmem:$0x10800] =	vst v63  }
0x80: {  	_ =	swait.ge [sflag:s0], $0x4000  }
0x81: {  	[sflag:s0] =	ssyncset.done $0x0  }
0x82: {  	[sflag:s0] =	ssyncadd.s32 $0xFFFFC000  }
0x83: {  	_ =	swait.ge [sflag:s20], $0x200  }
0x84: {  	[sflag:s20] =	ssyncset.done $0x0  }
0x85: {  	[sflag:s20] =	ssyncadd.s32 $0xFFFFFE00  }
0x86: {  	[tilespmem:s21], [sflag:$0x5] =	stream.indirect.gather [hbm4b:s3+s17], $0x20, s2, s17, $0xb8;
	[tilespmem:$0x10800] =	vst v63  }
0x87: {  	_ =	swait.ge [sflag:s5], $0x4000  }
0x88: {  	[sflag:s5] =	ssyncset.done $0x0  }
0x89: {  	[sflag:s5] =	ssyncadd.s32 $0xFFFFC000  }
0x8a: {  	_ =	swait.ge [sflag:s22], $0x200  }
0x8b: {  	[sflag:s22] =	ssyncset.done $0x0  }
0x8c: {  	[sflag:s22] =	ssyncadd.s32 $0xFFFFFE00  }
0x8d: {  	[tilespmem:s23], [sflag:$0x6] =	stream.indirect.gather [hbm4b:s3+s17], $0x20, s17, s17, $0xb8;
	[tilespmem:$0x10800] =	vst v63  }
0x8e: {  	_ =	swait.ge [sflag:s6], $0x4000  }
0x8f: {  	[sflag:s6] =	ssyncset.done $0x0  }
0x90: {  	[sflag:s6] =	ssyncadd.s32 $0xFFFFC000  }
0x91: {  	_ =	swait.ge [sflag:s24], $0x200  }
0x92: {  	[sflag:s24] =	ssyncset.done $0x0  }
0x93: {  	[sflag:s24] =	ssyncadd.s32 $0xFFFFFE00  }
0x94: {  	[tilespmem:s25], [sflag:$0x7] =	stream.indirect.gather [hbm4b:s3+s17], $0x20, s18, s17, $0xb8;
	[tilespmem:$0x10800] =	vst v63  }
0x95: {  	p0 =	sne.s32 s9, $0x60000;
	_ =	swait.ge [sflag:s7], $0x4000  }
.Ltmp0:
0x96: {  	[sflag:s7] =	ssyncset.done $0x0;
	(pc) =	sbr.rel @p0 .LBB2_2-.Ltmp0, $4  }
0x97: {  	[sflag:s7] =	ssyncadd.s32 $0xFFFFC000  }
0x98: {  	s9 =	sadd.s32 $0x2000, s9;
	_ =	swait.ge [sflag:s26], $0x200  }
0x99: {  	s10 =	sadd.s32 $0x100, s10;
	s4 =	sadd.s32 $0x100, s4;
	[sflag:s26] =	ssyncset.done $0x0  }
0x9a: {  	s12 =	sadd.s32 $0x100, s12;
	s11 =	sadd.s32 $0x100, s11;
	[sflag:s26] =	ssyncadd.s32 $0xFFFFFE00  }
0x9b: {  	[tilespmem:s28], [sflag:$0x8] =	stream.indirect.gather [hbm4b:s3+s17], $0x20, s19, s17, $0xb8;
	[tilespmem:$0x10800] =	vst v63  }
0x9c: {  	_ =	swait.ge [sflag:s29], $0x4000  }
0x9d: {  	[sflag:s29] =	ssyncset.done $0x0  }
0x9e: {  	s4 =	rddreg [dreg:$0x8];
	[sflag:s29] =	ssyncadd.s32 $0xFFFFC000  }
0x9f: {  	[hbm4b:s4+s2] =	stream.linear.scatter [tilespmem:s21], [sflag:$0x9], $0x4000, $0x38;
	[tilespmem:$0x10800] =	vst v63  }
0xa0: {  	_ =	swait.ge [sflag:s30], $0x4000  }
0xa1: {  	[sflag:s30] =	ssyncset.done $0x0  }
0xa2: {  	s11 =	rddreg [dreg:$0x9];
	[sflag:s30] =	ssyncadd.s32 $0xFFFFC000  }
0xa3: {  	[hbm4b:s11+s2] =	stream.linear.scatter [tilespmem:s23], [sflag:$0xA], $0x4000, $0x38;
	[tilespmem:$0x10800] =	vst v63  }
0xa4: {  	_ =	swait.ge [sflag:s31], $0x4000  }
0xa5: {  	[sflag:s31] =	ssyncset.done $0x0  }
0xa6: {  	s12 =	rddreg [dreg:$0xa];
	[sflag:s31] =	ssyncadd.s32 $0xFFFFC000  }
0xa7: {  	[hbm4b:s12+s2] =	stream.linear.scatter [tilespmem:s25], [sflag:$0xB], $0x4000, $0x38;
	[tilespmem:$0x10800] =	vst v63  }
0xa8: {  	_ =	swait.ge [sflag:s1], $0x4000  }
0xa9: {  	[sflag:s1] =	ssyncset.done $0x0  }
0xaa: {  	s13 =	rddreg [dreg:$0xb];
	[sflag:s1] =	ssyncadd.s32 $0xFFFFC000  }
0xab: {  	[hbm4b:s13+s2] =	stream.linear.scatter [tilespmem:s28], [sflag:$0xC], $0x4000, $0x38;
	[tilespmem:$0x10800] =	vst v63  }
0xac: {  	_ =	swait.ge [sflag:s0], $0x4000  }
0xad: {  	[sflag:s0] =	ssyncset.done $0x0  }
0xae: {  	[sflag:s0] =	ssyncadd.s32 $0xFFFFC000  }
0xaf: {  	_ =	swait.ge [sflag:s5], $0x4000  }
0xb0: {  	[sflag:s5] =	ssyncset.done $0x0  }
0xb1: {  	[sflag:s5] =	ssyncadd.s32 $0xFFFFC000  }
0xb2: {  	_ =	swait.ge [sflag:s6], $0x4000  }
0xb3: {  	[sflag:s6] =	ssyncset.done $0x0  }
0xb4: {  	[sflag:s6] =	ssyncadd.s32 $0xFFFFC000  }
0xb5: {  	_ =	swait.ge [sflag:s7], $0x4000  }
0xb6: {  	s8 =	sadd.s32 $0x1, s8;
	s14 =	rddreg [dreg:$0xc]  }
0xb7: {  	p0 =	sne.s32 s8, s14  }
.Ltmp1:
0xb8: {  	_ = 	snop;
	(pc) =	sbr.rel @p0 .LBB2_1-.Ltmp1, $3  }
0xb9: {  	_ =	sdelay $0x1  }
0xba: {  	[sflag:s7] =	ssyncset.done $0x0  }
0xbb: {  	[sflag:s7] =	ssyncadd.s32 $0xFFFFC000  }
0xbc: {  	_ =	sfence.sel $0x180000  }
0xbd: {  	[bflag:$0x0] =	sbarrier.arrive $0xFFFF  }
0xbe: {  	_ =	strace $0x90000047  }
0xbf: {  	s0 =	stileid.u32;
	[bflag:$0x2] =	sbarrier.arrive $0xFFFF  }
0xc0: {  	p0 =	sne.s32 s0, $0x0;
	s0 =	rddreg [dreg:$0x2]  }
0xc1: {  	s0 =	sadd.s32 @!p0 $0x100000, s0  }
0xc2: {  	[sflag:s0] =	ssyncadd.tile.s32 @!p0 $0x1;
	_ =	shalt  }
.Lfunc_end2:
_tile_overlayer_lowered:
.L_overlay_start_2:
0xc3: {  	(tag) =	ssettag $0x2  }
0xc4: {  	s0 =	rddreg [dreg:$0x0];
	s2 =	stileid.u32  }
0xc5: {  	s1 =	rddreg [dreg:$0x1];
	p0 =	sne.s32 s2, $0x0  }
0xc6: {  	s3 =	rddreg [dreg:$0x2];
	[bflag:$0x3] =	sbarrier.arrive $0xFFFF;
	s2 =	simm.s32 @!p0 $0x1C0D  }
0xc7: {  	[timem:s3], [sflag:s2] =	dma.local @!p0 [hbm:s0], s1  }
0xc8: {  	s0 =	simm.s32 @!p0 $0xD  }
0xc9: {  	_ =	swait.ge @!p0 [sflag:s0], s1  }
0xca: {  	s1 =	ssub.s32 @!p0 $0x0, s1;
	[sflag:s0] =	ssyncset.done @!p0 $0x0  }
0xcb: {  	[sflag:s0] =	ssyncadd.s32 @!p0 s1  }
0xcc: {  	[bflag:$0x3] =	sbarrier.arrive $0xFFFF  }
0xcd: {  	_ =	shalt  }

// kernel: sparse-core-data-format-call.cloned.1.call-start
scs
called_computation_lowered:
.L_overlay_start_0:
0x0: {  	s2 =	sld [smem:$0x3FD9]  }
0x1: {  	s3 =	sld [smem:$0x3FFE];
	_ =	sdelay $0x1  }
0x2: {  	s1 =	srdreg.scid  }
0x3: {  	s0 =	sand.u32 $0x1, s1  }
0x4: {  	s18 =	sshll.u32 s0, $0xA;
	s2 =	sadd.s32 s3, s2  }
0x5: {  	s2 =	sadd.s32 s2, s18  }
0x6: {  	[smem:$0x3FC6] =	sst s2  }
0x7: {  	_ = 	snop  }
0x8: {  	s2 =	sld [smem:$0x3FD0];
	(tm) =	ssettm $0x1  }
0x9: {  	s19 =	sld [smem:$0x3FFB];
	_ =	sdelay $0x3  }
0xa: {  	_ =	strace s19  }
0xb: {  	s3 =	sld [smem:$0x3FFC];
	_ =	sdelay $0x3  }
0xc: {  	_ =	strace s3  }
0xd: {  	s3 =	sld [smem:$0x3FFD];
	_ =	sdelay $0x3  }
0xe: {  	_ =	strace s3  }
0xf: {  	_ =	strace $0x8FFFFFFF  }
0x10: {  	s20 =	sld [smem:$0x3FDB];
	_ =	sdelay $0x1  }
0x11: {  	s4 =	simm.s32 $_scs_section_size  }
0x12: {  	s5 =	simm.s32 $_size__tile_overlayer_lowered;
	s6 =	simm.s32 $_tile_overlayer_lowered  }
0x13: {  	s23 =	simm.s32 $0x1BFF;
	s22 =	sshll.u32 s6, $0x1;
	s3 =	sadd.s32 s4, s20  }
0x14: {  	s7 =	simm.s32 $0x0;
	s21 =	sshll.u32 s5, $0x1;
	s5 =	sadd.s32 s22, s3  }
0x15: {  	[timem:s7], [sflag:s23] =	dma.local [hbm:s5], s21  }
0x16: {  	_ =	swait.ge [sflag:s23], s21  }
0x17: {  	s4 =	ssub.s32 $0x0, s21;
	[sflag:s23] =	ssyncset.done $0x0  }
0x18: {  	[sflag:s23] =	ssyncadd.s32 s4;
	_ =	sdelay $0x1  }
0x19: {  	s24 =	simm.s32 $0x1B8B  }
0x1a: {  	_ =	swait.ge [sflag:s24], $0x1  }
0x1b: {  	[sflag:s24] =	ssyncset.done $0x0  }
0x1c: {  	s26 =	simm.s32 $0x1B8E;
	s25 =	sld [smem:$0x3FFE];
	[sflag:s24] =	ssyncadd.s32 $0xFFFFFFFF  }
0x1d: {  	s27 =	simm.s32 $execute0_lowered;
	[smem:$0x3FD2] =	sst s26  }
0x1e: {  	s5 =	sshll.u32 s27, $0x1;
	_ =	strace $0x80000049;
	[dreg:$0x1] =	wrdreg $0xFFFFFFFF  }
0x1f: {  	s28 =	simm.s32 $_size_execute0_lowered;
	s3 =	sadd.s32 s3, s5;
	[dreg:$0x0] =	wrdreg $0x0  }
0x20: {  	s5 =	sshll.u32 s28, $0x1;
	[dreg:$0x2] =	wrdreg s3  }
0x21: {  	[dreg:$0x3] =	wrdreg s5  }
0x22: {  	[dreg:$0x4] =	wrdreg $0xC0  }
0x23: {  	_ =	task [dreg:s7], $0x5FFFF  }
0x24: {  	[dreg:$0x1] =	wrdreg $0xFFFFFFFF  }
0x25: {  	[dreg:$0x0] =	wrdreg $0x60  }
0x26: {  	[dreg:$0x2] =	wrdreg s25  }
0x27: {  	[dreg:$0x3] =	wrdreg s2  }
0x28: {  	[dreg:$0x4] =	wrdreg $0x9  }
0x29: {  	_ =	task.clear_ibuf [dreg:s7], $0x5FFFF;
	_ =	strace $0x90000049  }
0x2a: {  	s29 =	simm.s32 $0x9;
	_ =	strace $0x8000004B  }
0x2b: {  	_ =	swait.ge [sflag:s29], $0x1  }
0x2c: {  	[sflag:s29] =	ssyncadd.s32 $0xFFFFFFFF  }
0x2d: {  	_ =	strace $0x9000004B  }
0x2e: {  	_ =	sfence  }
0x2f: {  	s30 =	sld [smem:$0x0];
	_ =	sdelay $0x2  }
0x30: {  	s31 =	sshll.u32 s1, $0xD;
	s1 =	sshrl.u32 s1, $0x2  }
0x31: {  	s3 =	sand.u32 $0x4000, s31;
	s1 =	sadd.s32 s1, s30  }
0x32: {  	s0 =	sor.u32 s3, s0;
	s1 =	sshll.u32 s1, $0x11  }
0x33: {  	s0 =	sor.u32 s1, s0  }
0x34: {  	s0 =	sadd.s32 $0x8F2B, s0  }
0x35: {  	[sflag:s0] =	ssyncadd.remote.s32 $0x1  }
0x36: {  	_ =	sfence.sel $0xFFFF  }
0x37: {  	[dreg:$0x0] =	wrdreg $0xFFFFFFFF;
	(pc) =	sbr.abs _section_cstart, $3  }
0x38: {  	[dreg:$0x1] =	wrdreg $0xFFFFFFFF  }
0x39: {  	_ =	task.clear_ibuf [dreg:s7], $0x2FFFF;
	_ =	strace $0x9FFFFFFF  }
0x3a: {  	(tm) =	ssettm $0x7FFFFFFF  }
0x3b: {  	_ =	shalt  }
tec
execute0_lowered:
.L_overlay_start_1:
0x0: {  	(tag) =	ssettag $0x1  }
0x1: {  	s0 =	srdreg.scid  }
0x2: {  	s1 =	sshll.u32 s0, $0x4  }
0x3: {  	s0 =	stileid.u32;
	s1 =	sand.u32 $0x10, s1  }
0x4: {  	s1 =	sor.u32 s0, s1  }
0x5: {  	s6 =	rddreg [dreg:$0x0];
	s4 =	simm.s32 $0x1;
	s2 =	sshll.u32 s1, $0x7  }
0x6: {  	s7 =	simm.s32 $0x2;
	s12 =	simm.s32 $0x0;
	s1 =	ssub.s32 $0x4000, s2  }
0x7: {  	s8 =	simm.s32 $0x20000;
	s13 =	simm.s32 $0x0;
	s3 =	sand.u32 $0xF80, s1  }
0x8: {  	s9 =	simm.s32 $0x0;
	s5 =	sshrl.u32 s1, $0xC;
	p0 =	sne.s32 s3, $0x0  }
.Ltmp0:
0x9: {  	s1 =	rddreg [dreg:$0x2];
	s4 =	simm.s32 @!p0 $0x0;
	(pc) =	sbr.rel .LBB1_1-.Ltmp0, $4  }
0xa: {  	s11 =	simm.s32 $0x0;
	s3 =	rddreg [dreg:$0x1];
	s5 =	sadd.s32 s4, s5  }
0xb: {  	_ =	strace $0x8000004A;
	s4 =	simm.s32 $0x1;
	s5 =	smul.u32 $0xC8, s5  }
0xc: {  	s6 =	sadd.s32 $0x800, s6;
	s10 =	smov.u32 s2;
	[sflag:s4] =	ssyncpa.u1 $0x0  }
0xd: {  	p0 =	por $0x0, $0x0;
	[sflag:s7] =	ssyncpa.u1 $0x0;
	s7 =	sor.u32 $0x1, s5  }
.LBB1_4:
0xe: {  	s16 =	sshll.u32 s13, $0x3;
	s17 =	sand.u32 $0x78, s13  }
0xf: {  	s30 =	sand.u32 $0xF800, s13;
	s12 =	sshll.u32 s12, $0x10;
	s16 =	sand.u32 $0x3C00, s16  }
0x10: {  	s31 =	sand.u32 $0x7, s13;
	s16 =	sor.u32 s17, s16;
	s17 =	sadd.s32 s3, s30  }
0x11: {  	s13 =	sshll.u32 s31, $0x12;
	s16 =	sshrl.u32 s16, $0x3;
	s12 =	sadd.s32 s12, s17  }
0x12: {  	[tilespmem:s15+$0x0 ss:$0x81] =	vst.msk $0xffff, v0;
	s13 =	sor.u32 $0x400, s13;
	s12 =	sadd.s32 s16, s12  }
0x13: {  	[hbm4b:s12+s13] =	stream.strided.scatter [tilespmem:s14], [sflag:$0x2], $0x1000, s8, s13, $0x20;
	[tilespmem:$0x4040] =	vst v63  }
.LBB1_5:
0x14: {  	s14 =	sadd.s32 $0x1, s9  }
0x15: {  	s12 =	sadd.s32 $0x1000, s10;
	s16 =	smov.u32 s10;
	p2 =	sgt.s32 s14, $0xC7  }
0x16: {  	s16 =	smov.u32 @p2 s12  }
0x17: {  	s14 =	simm.s32 @p2 $0x0;
	p2 =	sgt.s32 s16, $0x3FFF  }
0x18: {  	s16 =	smov.u32 @p2 s2;
	p2 =	sne.s32 s11, s7  }
.Ltmp1:
0x19: {  	p1 =	slt.u32 s11, $0x2;
	(pc) =	sbr.rel @!p2 .LBB1_6-.Ltmp1, $4  }
0x1a: {  	s15 =	simm.s32 @!p1 $0x2  }
0x1b: {  	s13 =	smov.u32 s10;
	p0 =	por !p0, !p0;
	_ =	swait.ge @!p1 [sflag:s15], $0x1000  }
0x1c: {  	s12 =	smov.u32 s9;
	[sflag:s15] =	ssyncset.done @!p1 $0x0;
	s9 =	smov.u32 s14  }
0x1d: {  	s11 =	sadd.s32 $0x1, s11;
	[sflag:s15] =	ssyncadd.s32 @!p1 $0xFFFFF000;
	s10 =	smov.u32 s16  }
.LBB1_1:
0x1e: {  	p1 =	sge.u32 s11, s5  }
0x1f: {  	s14 =	sand.u32 @!p1 $0x1FFFFFF, s9  }
0x20: {  	s15 =	smulhi.u32 @!p1 $0x147AE15, s14;
	_ =	sdelay $0x1  }
0x21: {  	s15 =	smul.u32 @!p1 $0xC8, s15  }
0x22: {  	s16 =	sxor.u32 @!p1 $0xFFFFFFFF, s11;
	s17 =	smul.u32 @!p1 $0xC80, s10  }
0x23: {  	s31 =	sadd.s32 $0xFFFFFFFF, s11;
	s16 =	sshll.u32 @!p1 s16, $0xC;
	s14 =	ssub.s32 @!p1 s14, s15  }
0x24: {  	s15 =	sand.u32 @!p1 $0x1000, s16;
	s16 =	sadd.s32 @!p1 s6, s17;
	s14 =	sshll.u32 @!p1 s14, $0x4  }
0x25: {  	s17 =	simm.s32 @!p1 $0x6400;
	s14 =	sadd.s32 @!p1 s14, s16;
	s16 =	simm.s32 @!p1 $0x20  }
0x26: {  	[tilespmem:s15], [sflag:$0x1] =	stream.strided.gather @!p1 [hbm4b:s14+s16], $0x1000, s17, s16, $0x38;
	[tilespmem:$0x4040] =	vst v63  }
0x27: {  	p1 =	sge.u32 s31, s5  }
.Ltmp2:
0x28: {  	_ = 	snop;
	(pc) =	sbr.rel @p1 .LBB1_5-.Ltmp2, $1  }
0x29: {  	_ =	sdelay $0x3  }
0x2a: {  	s14 =	simm.s32 $0x1  }
0x2b: {  	_ =	swait.ge [sflag:s4], $0x1000;
	s14 =	simm.s32 @!p0 $0x0  }
0x2c: {  	[sflag:s4] =	ssyncset.done $0x0;
	s15 =	sshll.u32 s14, $0xC  }
0x2d: {  	[sflag:s4] =	ssyncadd.s32 $0xFFFFF000;
	s18 =	sor.u32 $0x10, s15  }
0x2e: {  	s14 =	smul.u32 $0x4080, s14;
	v1 =	vld [tilespmem:s18+$0x0]  }
0x2f: {  	s30 =	sand.u32 $0x1, s11;
	v0 =	vld [tilespmem:s18+$0xFFFFFFF0]  }
0x30: {  	s15 =	smul.u32 $0x4080, s30;
	s14 =	sshrl.u32 s14, $0x2  }
0x31: {  	s16 =	sor.u32 $0x2000, s14  }
0x32: {  	s31 =	sshrl.u32 s15, $0x2;
	s15 =	sadd.s32 $0x0, s16  }
0x33: {  	s17 =	simm.s32 $0x4;
	s18 =	sadd.s32 $0x20, s18;
	s14 =	sor.u32 $0x2000, s31;
	[tilespmem:s15+$0x810 ss:$0x81] =	vst.msk $0xffff, v1  }
.LBB1_3:
0x34: {  	v1 =	vld [tilespmem:s18+$0x0];
	p1 =	sne.s32 s17, $0x1FC;
	[tilespmem:s15+$0x0 ss:$0x81] =	vst.msk $0xffff, v0;
	s15 =	smov.u32 s17;
	s17 =	sadd.s32 $0x4, s17  }
.Ltmp3:
0x35: {  	v0 =	vld [tilespmem:s18+$0xFFFFFFF0];
	(pc) =	sbr.rel @p1 .LBB1_3-.Ltmp3, $4  }
0x36: {  	_ = 	snop  }
0x37: {  	s15 =	sshra.s32 s15, $0x2  }
0x38: {  	s15 =	sadd.s32 s15, s16  }
0x39: {  	s18 =	sadd.s32 $0x20, s18;
	[tilespmem:s15+$0x810 ss:$0x81] =	vst.msk $0xffff, v1  }
.Ltmp4:
0x3a: {  	_ = 	snop;
	(pc) =	sbr.rel .LBB1_4-.Ltmp4, $1  }
0x3b: {  	_ =	sdelay $0x3  }
.LBB1_6:
0x3c: {  	_ =	sfence.sel $0x180000  }
0x3d: {  	s2 =	simm.s32 $0x1;
	[bflag:$0x0] =	sbarrier.arrive $0xFFFF  }
0x3e: {  	s31 =	simm.s32 $0x2;
	[sflag:s2] =	ssyncpa.u1 $0x1  }
0x3f: {  	[sflag:s31] =	ssyncpa.u1 $0x1  }
0x40: {  	p0 =	sne.s32 s0, $0x0;
	_ =	strace $0x9000004A  }
0x41: {  	s0 =	sadd.s32 @!p0 $0x100000, s1;
	[bflag:$0x2] =	sbarrier.arrive $0xFFFF  }
0x42: {  	[sflag:s0] =	ssyncadd.tile.s32 @!p0 $0x1;
	_ =	shalt  }
.Lfunc_end1:
_tile_overlayer_lowered:
.L_overlay_start_2:
0x43: {  	(tag) =	ssettag $0x2  }
0x44: {  	s0 =	rddreg [dreg:$0x0];
	s2 =	stileid.u32  }
0x45: {  	s1 =	rddreg [dreg:$0x1];
	p0 =	sne.s32 s2, $0x0  }
0x46: {  	s3 =	rddreg [dreg:$0x2];
	[bflag:$0x3] =	sbarrier.arrive $0xFFFF;
	s2 =	simm.s32 @!p0 $0x1C01  }
0x47: {  	[timem:s3], [sflag:s2] =	dma.local @!p0 [hbm:s0], s1  }
0x48: {  	s0 =	simm.s32 @!p0 $0x1  }
0x49: {  	_ =	swait.ge @!p0 [sflag:s0], s1  }
0x4a: {  	s1 =	ssub.s32 @!p0 $0x0, s1;
	[sflag:s0] =	ssyncset.done @!p0 $0x0  }
0x4b: {  	[sflag:s0] =	ssyncadd.s32 @!p0 s1  }
0x4c: {  	[bflag:$0x3] =	sbarrier.arrive $0xFFFF  }
0x4d: {  	_ =	shalt  }

</sc_bundles>
